<compile_context>
chip_gen: v7x
topology: tpu7x:2x2x1
jax: 0.10.2.dev20260603
libtpu: 0.0.44.dev20260713+nightly
codegen_flags: <defaults>
</compile_context>

<pallas_src>
import functools

import jax
import jax.numpy as jnp
from jax import lax
from jax.experimental import pallas as pl
from jax.experimental.pallas import tpu as pltpu
from jax.experimental.pallas import tpu_sc as plsc


def _build_gather(n_total, hidden, nc, ns):
    nw = nc * ns
    per_w = n_total // nw
    ch = 80
    n_ch = per_w // ch
    nbuf = 8
    ahead = 4

    mesh = plsc.VectorSubcoreMesh(core_axis_name="c", subcore_axis_name="s")

    @functools.partial(
        pl.kernel,
        out_type=jax.ShapeDtypeStruct((n_total, hidden), jnp.float32),
        mesh=mesh,
        scratch_types=[
            pltpu.VMEM((per_w,), jnp.int32),
        ]
        + [pltpu.VMEM((ch, hidden), jnp.float32)] * nbuf
        + [pltpu.SemaphoreType.DMA] * (2 * nbuf + 2),
    )
    def emb(idx_hbm, tbl_hbm, out_hbm, idx_v, *rest):
        rows_v = rest[:nbuf]
        rsem = rest[nbuf : 2 * nbuf]
        wsem = rest[2 * nbuf : 3 * nbuf]
        isem_a, isem_b = rest[3 * nbuf], rest[3 * nbuf + 1]
        wid = lax.axis_index("s") * nc + lax.axis_index("c")
        base = wid * per_w

        def idx_slice(g):
            return idx_v.at[pl.ds(g * ch, ch)]

        head = ahead * ch
        pltpu.async_copy(
            idx_hbm.at[pl.ds(base, head)], idx_v.at[pl.ds(0, head)], isem_a
        )
        pltpu.async_copy(
            idx_hbm.at[pl.ds(base + head, per_w - head)],
            idx_v.at[pl.ds(head, per_w - head)],
            isem_b,
        )
        pltpu.make_async_copy(
            idx_hbm.at[pl.ds(base, head)], idx_v.at[pl.ds(0, head)], isem_a
        ).wait()
        for c in range(ahead):
            pltpu.async_copy(tbl_hbm.at[idx_slice(c)], rows_v[c], rsem[c])
        pltpu.make_async_copy(
            idx_hbm.at[pl.ds(base + head, per_w - head)],
            idx_v.at[pl.ds(head, per_w - head)],
            isem_b,
        ).wait()

        def group(i, carry):
            for b in range(nbuf):
                g = i * nbuf + b
                sa = (b + ahead) % nbuf

                @pl.when(g + ahead < n_ch)
                def _():
                    @pl.when(g >= nbuf - ahead)
                    def _():
                        pltpu.make_async_copy(
                            rows_v[sa],
                            out_hbm.at[pl.ds(base + (g + ahead) * ch, ch)],
                            wsem[sa],
                        ).wait()

                    pltpu.async_copy(
                        tbl_hbm.at[idx_slice(g + ahead)], rows_v[sa], rsem[sa]
                    )

                pltpu.make_async_copy(
                    tbl_hbm.at[idx_slice(g)], rows_v[b], rsem[b]
                ).wait()
                pltpu.async_copy(
                    rows_v[b], out_hbm.at[pl.ds(base + g * ch, ch)], wsem[b]
                )
            return carry

        lax.fori_loop(0, n_ch // nbuf, group, 0)

        for c in range(n_ch - ahead, n_ch):
            b = c % nbuf
            pltpu.make_async_copy(
                rows_v[b], out_hbm.at[pl.ds(base + c * ch, ch)], wsem[b]
            ).wait()

    return emb


def kernel(input_ids, weight):
    b, l = input_ids.shape
    vocab, hidden = weight.shape
    n_total = b * l
    info = plsc.get_sparse_core_info()
    emb = _build_gather(n_total, hidden, info.num_cores, info.num_subcores)
    out = emb(input_ids.reshape(n_total), weight)
    return out.reshape(b, l, hidden)

# --- scband reference (transcript-rebuilt; emitter-appended) ---
"""Pipeline reference for scband-vocab-parallel-embedding-89515708383513 (READ-ONLY COPY).

The authoritative reference and input builder live on the scoring server;
editing this copy changes nothing except your own understanding.
"""

import jax, jax.numpy as jnp
import numpy as np

VOCAB = 1000000
HIDDEN = 128
B = 1024
L = 200


def setup_inputs(seed: int = 0) -> dict:
    key = jax.random.key(seed)
    k1, k2 = jax.random.split(key)
    input_ids = jax.random.randint(k1, (B, L), 0, VOCAB, dtype=jnp.int32)
    # full embedding table held by this (single) rank: world_size=1, rank=0
    weight = jax.random.normal(k2, (VOCAB, HIDDEN), dtype=jnp.float32)
    return {"input_ids": input_ids, "weight": weight}


def reference(input_ids, weight):
    # Single-rank (world_size=1) faithful translation of VocabParallelEmbedding.forward:
    # vocab_start_idx = rank * chunk = 0; vocab_end_idx = vocab_size
    vocab_start_idx = 0
    vocab_end_idx = weight.shape[0]
    mask = (input_ids < vocab_start_idx) | (input_ids >= vocab_end_idx)
    masked_input = jnp.where(mask, 0, input_ids - vocab_start_idx)
    output = jnp.take(weight, masked_input, axis=0)
    output = jnp.where(mask[..., None], 0.0, output)
    # ReduceFromTPRegion (all-reduce sum) is identity for world_size=1
    return output

if __name__ == "__main__":
    import jax
    _d = setup_inputs()
    print(jax.jit(kernel)(*tuple(_d.values())))

</pallas_src>

<mosaic_0001>
#map = affine_map<(d0, d1) -> (0)>
#map1 = affine_map<(d0, d1) -> (0, 0)>
module attributes {stable_mosaic.version = 14 : i64} {
  func.func @emb(%arg0: i32, %arg1: i32, %arg2: memref<204800xi32, #tpu.memory_space<hbm>>, %arg3: memref<1000000x128xf32, #tpu.memory_space<hbm>>, %arg4: memref<204800x128xf32, #tpu.memory_space<hbm>>, %arg5: memref<6400xi32, #tpu.memory_space<vmem>>, %arg6: memref<80x128xf32, #tpu.memory_space<vmem>>, %arg7: memref<80x128xf32, #tpu.memory_space<vmem>>, %arg8: memref<80x128xf32, #tpu.memory_space<vmem>>, %arg9: memref<80x128xf32, #tpu.memory_space<vmem>>, %arg10: memref<80x128xf32, #tpu.memory_space<vmem>>, %arg11: memref<80x128xf32, #tpu.memory_space<vmem>>, %arg12: memref<80x128xf32, #tpu.memory_space<vmem>>, %arg13: memref<80x128xf32, #tpu.memory_space<vmem>>, %arg14: memref<!tpu.dma_semaphore, #tpu.memory_space<semaphore_mem>>, %arg15: memref<!tpu.dma_semaphore, #tpu.memory_space<semaphore_mem>>, %arg16: memref<!tpu.dma_semaphore, #tpu.memory_space<semaphore_mem>>, %arg17: memref<!tpu.dma_semaphore, #tpu.memory_space<semaphore_mem>>, %arg18: memref<!tpu.dma_semaphore, #tpu.memory_space<semaphore_mem>>, %arg19: memref<!tpu.dma_semaphore, #tpu.memory_space<semaphore_mem>>, %arg20: memref<!tpu.dma_semaphore, #tpu.memory_space<semaphore_mem>>, %arg21: memref<!tpu.dma_semaphore, #tpu.memory_space<semaphore_mem>>, %arg22: memref<!tpu.dma_semaphore, #tpu.memory_space<semaphore_mem>>, %arg23: memref<!tpu.dma_semaphore, #tpu.memory_space<semaphore_mem>>, %arg24: memref<!tpu.dma_semaphore, #tpu.memory_space<semaphore_mem>>, %arg25: memref<!tpu.dma_semaphore, #tpu.memory_space<semaphore_mem>>, %arg26: memref<!tpu.dma_semaphore, #tpu.memory_space<semaphore_mem>>, %arg27: memref<!tpu.dma_semaphore, #tpu.memory_space<semaphore_mem>>, %arg28: memref<!tpu.dma_semaphore, #tpu.memory_space<semaphore_mem>>, %arg29: memref<!tpu.dma_semaphore, #tpu.memory_space<semaphore_mem>>, %arg30: memref<!tpu.dma_semaphore, #tpu.memory_space<semaphore_mem>>, %arg31: memref<!tpu.dma_semaphore, #tpu.memory_space<semaphore_mem>>) attributes {dimension_semantics = [#tpu.dimension_semantics<core_parallel>, #tpu.dimension_semantics<subcore_parallel>], iteration_bounds = array<i64: 2, 16>, scalar_prefetch = 0 : i64, scratch_operands = 27 : i64, tpu.core_type = #tpu.core_type<sc_vector_subcore>, window_params = [{transform_indices = #map}, {transform_indices = #map1}, {transform_indices = #map1}]} {
    %mul3A = arith.constant 2 : i32
    %mul3A_0 = arith.muli %arg1, %mul3A : i32
    %add3A = arith.addi %mul3A_0, %arg0 : i32
    %mul3A_1 = arith.constant 6400 : i32
    %mul3A_2 = arith.muli %add3A, %mul3A_1 : i32
    %dma_start3A = arith.constant 0 : i32
    %dma_start3A_3 = tpu.memref_slice %arg5[%dma_start3A] : memref<6400xi32, #tpu.memory_space<vmem>> -> memref<320xi32, #tpu.memory_space<vmem>>
    %dma_start3A_4 = tpu.memref_slice %arg2[%mul3A_2] : memref<204800xi32, #tpu.memory_space<hbm>> -> memref<320xi32, #tpu.memory_space<hbm>>
    %dma_start3A_5 = arith.constant 0 : i32
    %dma_start3A_6 = tpu.memref_slice %arg5[%dma_start3A_5] : memref<6400xi32, #tpu.memory_space<vmem>> -> memref<320xi32, #tpu.memory_space<vmem>>
    %dma_start3A_7 = tpu.memref_slice %arg2[%mul3A_2] : memref<204800xi32, #tpu.memory_space<hbm>> -> memref<320xi32, #tpu.memory_space<hbm>>
    tpu.enqueue_dma source(%dma_start3A_7 : memref<320xi32, #tpu.memory_space<hbm>>) target(%dma_start3A_6 : memref<320xi32, #tpu.memory_space<vmem>>) target_semaphore(%arg30 : memref<!tpu.dma_semaphore, #tpu.memory_space<semaphore_mem>>)
    %add3A_8 = arith.constant 320 : i32
    %add3A_9 = arith.addi %mul3A_2, %add3A_8 : i32
    %dma_start3A_10 = arith.constant 320 : i32
    %dma_start3A_11 = tpu.memref_slice %arg5[%dma_start3A_10] : memref<6400xi32, #tpu.memory_space<vmem>> -> memref<6080xi32, #tpu.memory_space<vmem>>
    %dma_start3A_12 = tpu.memref_slice %arg2[%add3A_9] : memref<204800xi32, #tpu.memory_space<hbm>> -> memref<6080xi32, #tpu.memory_space<hbm>>
    %dma_start3A_13 = arith.constant 320 : i32
    %dma_start3A_14 = tpu.memref_slice %arg5[%dma_start3A_13] : memref<6400xi32, #tpu.memory_space<vmem>> -> memref<6080xi32, #tpu.memory_space<vmem>>
    %dma_start3A_15 = tpu.memref_slice %arg2[%add3A_9] : memref<204800xi32, #tpu.memory_space<hbm>> -> memref<6080xi32, #tpu.memory_space<hbm>>
    tpu.enqueue_dma source(%dma_start3A_15 : memref<6080xi32, #tpu.memory_space<hbm>>) target(%dma_start3A_14 : memref<6080xi32, #tpu.memory_space<vmem>>) target_semaphore(%arg31 : memref<!tpu.dma_semaphore, #tpu.memory_space<semaphore_mem>>)
    %dma_wait3A = arith.constant 0 : i32
    %dma_wait3A_16 = tpu.memref_slice %arg5[%dma_wait3A] : memref<6400xi32, #tpu.memory_space<vmem>> -> memref<320xi32, #tpu.memory_space<vmem>>
    %dma_wait3A_17 = tpu.memref_slice %arg2[%mul3A_2] : memref<204800xi32, #tpu.memory_space<hbm>> -> memref<320xi32, #tpu.memory_space<hbm>>
    %dma_wait3A_18 = arith.constant 0 : i32
    %dma_wait3A_19 = tpu.memref_slice %arg5[%dma_wait3A_18] : memref<6400xi32, #tpu.memory_space<vmem>> -> memref<320xi32, #tpu.memory_space<vmem>>
    %dma_wait3A_20 = tpu.memref_slice %arg2[%mul3A_2] : memref<204800xi32, #tpu.memory_space<hbm>> -> memref<320xi32, #tpu.memory_space<hbm>>
    tpu.wait_dma2 semaphore(%arg30 : memref<!tpu.dma_semaphore, #tpu.memory_space<semaphore_mem>>) src(%dma_wait3A_20 : memref<320xi32, #tpu.memory_space<hbm>>) dst(%dma_wait3A_19 : memref<320xi32, #tpu.memory_space<vmem>>)
    %dma_start3A_21 = arith.constant 0 : i32
    %dma_start3A_22 = tpu.memref_slice %arg5[%dma_start3A_21] : memref<6400xi32, #tpu.memory_space<vmem>> -> memref<80xi32, #tpu.memory_space<vmem>>
    %dma_start3A_23 = arith.constant 0 : i32
    %dma_start3A_24 = arith.constant 0 : i32
    %dma_start3A_25 = tpu.memref_slice %arg3[%dma_start3A_23, %dma_start3A_24] : memref<1000000x128xf32, #tpu.memory_space<hbm>> -> memref<1000000x128xf32, #tpu.memory_space<hbm>>
    tpu.enqueue_indirect_dma source(%dma_start3A_25 : memref<1000000x128xf32, #tpu.memory_space<hbm>>) target(%arg6 : memref<80x128xf32, #tpu.memory_space<vmem>>) offsets(%dma_start3A_22 : memref<80xi32, #tpu.memory_space<vmem>>) semaphore(%arg14 : memref<!tpu.dma_semaphore, #tpu.memory_space<semaphore_mem>>)
    %dma_start3A_26 = arith.constant 80 : i32
    %dma_start3A_27 = tpu.memref_slice %arg5[%dma_start3A_26] : memref<6400xi32, #tpu.memory_space<vmem>> -> memref<80xi32, #tpu.memory_space<vmem>>
    %dma_start3A_28 = arith.constant 0 : i32
    %dma_start3A_29 = arith.constant 0 : i32
    %dma_start3A_30 = tpu.memref_slice %arg3[%dma_start3A_28, %dma_start3A_29] : memref<1000000x128xf32, #tpu.memory_space<hbm>> -> memref<1000000x128xf32, #tpu.memory_space<hbm>>
    tpu.enqueue_indirect_dma source(%dma_start3A_30 : memref<1000000x128xf32, #tpu.memory_space<hbm>>) target(%arg7 : memref<80x128xf32, #tpu.memory_space<vmem>>) offsets(%dma_start3A_27 : memref<80xi32, #tpu.memory_space<vmem>>) semaphore(%arg15 : memref<!tpu.dma_semaphore, #tpu.memory_space<semaphore_mem>>)
    %dma_start3A_31 = arith.constant 160 : i32
    %dma_start3A_32 = tpu.memref_slice %arg5[%dma_start3A_31] : memref<6400xi32, #tpu.memory_space<vmem>> -> memref<80xi32, #tpu.memory_space<vmem>>
    %dma_start3A_33 = arith.constant 0 : i32
    %dma_start3A_34 = arith.constant 0 : i32
    %dma_start3A_35 = tpu.memref_slice %arg3[%dma_start3A_33, %dma_start3A_34] : memref<1000000x128xf32, #tpu.memory_space<hbm>> -> memref<1000000x128xf32, #tpu.memory_space<hbm>>
    tpu.enqueue_indirect_dma source(%dma_start3A_35 : memref<1000000x128xf32, #tpu.memory_space<hbm>>) target(%arg8 : memref<80x128xf32, #tpu.memory_space<vmem>>) offsets(%dma_start3A_32 : memref<80xi32, #tpu.memory_space<vmem>>) semaphore(%arg16 : memref<!tpu.dma_semaphore, #tpu.memory_space<semaphore_mem>>)
    %dma_start3A_36 = arith.constant 240 : i32
    %dma_start3A_37 = tpu.memref_slice %arg5[%dma_start3A_36] : memref<6400xi32, #tpu.memory_space<vmem>> -> memref<80xi32, #tpu.memory_space<vmem>>
    %dma_start3A_38 = arith.constant 0 : i32
    %dma_start3A_39 = arith.constant 0 : i32
    %dma_start3A_40 = tpu.memref_slice %arg3[%dma_start3A_38, %dma_start3A_39] : memref<1000000x128xf32, #tpu.memory_space<hbm>> -> memref<1000000x128xf32, #tpu.memory_space<hbm>>
    tpu.enqueue_indirect_dma source(%dma_start3A_40 : memref<1000000x128xf32, #tpu.memory_space<hbm>>) target(%arg9 : memref<80x128xf32, #tpu.memory_space<vmem>>) offsets(%dma_start3A_37 : memref<80xi32, #tpu.memory_space<vmem>>) semaphore(%arg17 : memref<!tpu.dma_semaphore, #tpu.memory_space<semaphore_mem>>)
    %add3A_41 = arith.constant 320 : i32
    %add3A_42 = arith.addi %mul3A_2, %add3A_41 : i32
    %dma_wait3A_43 = arith.constant 320 : i32
    %dma_wait3A_44 = tpu.memref_slice %arg5[%dma_wait3A_43] : memref<6400xi32, #tpu.memory_space<vmem>> -> memref<6080xi32, #tpu.memory_space<vmem>>
    %dma_wait3A_45 = tpu.memref_slice %arg2[%add3A_42] : memref<204800xi32, #tpu.memory_space<hbm>> -> memref<6080xi32, #tpu.memory_space<hbm>>
    %dma_wait3A_46 = arith.constant 320 : i32
    %dma_wait3A_47 = tpu.memref_slice %arg5[%dma_wait3A_46] : memref<6400xi32, #tpu.memory_space<vmem>> -> memref<6080xi32, #tpu.memory_space<vmem>>
    %dma_wait3A_48 = tpu.memref_slice %arg2[%add3A_42] : memref<204800xi32, #tpu.memory_space<hbm>> -> memref<6080xi32, #tpu.memory_space<hbm>>
    tpu.wait_dma2 semaphore(%arg31 : memref<!tpu.dma_semaphore, #tpu.memory_space<semaphore_mem>>) src(%dma_wait3A_48 : memref<6080xi32, #tpu.memory_space<hbm>>) dst(%dma_wait3A_47 : memref<6080xi32, #tpu.memory_space<vmem>>)
    %scan3A = arith.constant 0 : i32
    %scan3A_49 = arith.constant 0 : i32
    %scan3A_50 = arith.constant 10 : i32
    %scan3A_51 = arith.addi %scan3A_49, %scan3A_50 : i32
    %scan3A_52 = arith.constant 1 : i32
    scf.for %scan3A_78 = %scan3A_49 to %scan3A_51 step %scan3A_52  : i32 {
      %mul3A_79 = arith.constant 8 : i32
      %mul3A_80 = arith.muli %scan3A_78, %mul3A_79 : i32
      %add3A_81 = arith.constant 0 : i32
      %add3A_82 = arith.addi %mul3A_80, %add3A_81 : i32
      %add3A_83 = arith.constant 4 : i32
      %add3A_84 = arith.addi %add3A_82, %add3A_83 : i32
      %lt3A = arith.constant 80 : i32
      %lt3A_85 = arith.cmpi slt, %add3A_84, %lt3A : i32
      %convert_element_type3A = arith.extui %lt3A_85 : i1 to i32
      %cond3A = arith.constant 0 : i32
      %cond3A_86 = arith.cmpi ne, %convert_element_type3A, %cond3A : i32
      scf.if %cond3A_86 {
        %ge3A = arith.constant 4 : i32
        %ge3A_268 = arith.cmpi sge, %add3A_82, %ge3A : i32
        %convert_element_type3A_269 = arith.extui %ge3A_268 : i1 to i32
        %cond3A_270 = arith.constant 0 : i32
        %cond3A_271 = arith.cmpi ne, %convert_element_type3A_269, %cond3A_270 : i32
        scf.if %cond3A_271 {
          %add3A_280 = arith.constant 4 : i32
          %add3A_281 = arith.addi %add3A_82, %add3A_280 : i32
          %mul3A_282 = arith.constant 80 : i32
          %mul3A_283 = arith.muli %add3A_281, %mul3A_282 : i32
          %add3A_284 = arith.addi %mul3A_2, %mul3A_283 : i32
          %dma_wait3A_285 = arith.constant 0 : i32
          %dma_wait3A_286 = tpu.memref_slice %arg4[%add3A_284, %dma_wait3A_285] : memref<204800x128xf32, #tpu.memory_space<hbm>> -> memref<80x128xf32, #tpu.memory_space<hbm>>
          %dma_wait3A_287 = arith.constant 0 : i32
          %dma_wait3A_288 = tpu.memref_slice %arg4[%add3A_284, %dma_wait3A_287] : memref<204800x128xf32, #tpu.memory_space<hbm>> -> memref<80x128xf32, #tpu.memory_space<hbm>>
          tpu.wait_dma2 semaphore(%arg26 : memref<!tpu.dma_semaphore, #tpu.memory_space<semaphore_mem>>) src(%arg10 : memref<80x128xf32, #tpu.memory_space<vmem>>) dst(%dma_wait3A_288 : memref<80x128xf32, #tpu.memory_space<hbm>>)
        } else {
        }
        %add3A_272 = arith.constant 4 : i32
        %add3A_273 = arith.addi %add3A_82, %add3A_272 : i32
        %mul3A_274 = arith.constant 80 : i32
        %mul3A_275 = arith.muli %add3A_273, %mul3A_274 : i32
        %dma_start3A_276 = tpu.memref_slice %arg5[%mul3A_275] : memref<6400xi32, #tpu.memory_space<vmem>> -> memref<80xi32, #tpu.memory_space<vmem>>
        %dma_start3A_277 = arith.constant 0 : i32
        %dma_start3A_278 = arith.constant 0 : i32
        %dma_start3A_279 = tpu.memref_slice %arg3[%dma_start3A_277, %dma_start3A_278] : memref<1000000x128xf32, #tpu.memory_space<hbm>> -> memref<1000000x128xf32, #tpu.memory_space<hbm>>
        tpu.enqueue_indirect_dma source(%dma_start3A_279 : memref<1000000x128xf32, #tpu.memory_space<hbm>>) target(%arg10 : memref<80x128xf32, #tpu.memory_space<vmem>>) offsets(%dma_start3A_276 : memref<80xi32, #tpu.memory_space<vmem>>) semaphore(%arg18 : memref<!tpu.dma_semaphore, #tpu.memory_space<semaphore_mem>>)
      } else {
      }
      %mul3A_87 = arith.constant 80 : i32
      %mul3A_88 = arith.muli %add3A_82, %mul3A_87 : i32
      %dma_wait3A_89 = tpu.memref_slice %arg5[%mul3A_88] : memref<6400xi32, #tpu.memory_space<vmem>> -> memref<80xi32, #tpu.memory_space<vmem>>
      %dma_wait3A_90 = arith.constant 0 : i32
      %dma_wait3A_91 = arith.constant 0 : i32
      %dma_wait3A_92 = tpu.memref_slice %arg3[%dma_wait3A_90, %dma_wait3A_91] : memref<1000000x128xf32, #tpu.memory_space<hbm>> -> memref<1000000x128xf32, #tpu.memory_space<hbm>>
      tpu.wait_indirect_dma semaphore(%arg14 : memref<!tpu.dma_semaphore, #tpu.memory_space<semaphore_mem>>) src(%dma_wait3A_92 : memref<1000000x128xf32, #tpu.memory_space<hbm>>) dst(%arg6 : memref<80x128xf32, #tpu.memory_space<vmem>>)
      %mul3A_93 = arith.constant 80 : i32
      %mul3A_94 = arith.muli %add3A_82, %mul3A_93 : i32
      %add3A_95 = arith.addi %mul3A_2, %mul3A_94 : i32
      %dma_start3A_96 = arith.constant 0 : i32
      %dma_start3A_97 = tpu.memref_slice %arg4[%add3A_95, %dma_start3A_96] : memref<204800x128xf32, #tpu.memory_space<hbm>> -> memref<80x128xf32, #tpu.memory_space<hbm>>
      %dma_start3A_98 = arith.constant 0 : i32
      %dma_start3A_99 = tpu.memref_slice %arg4[%add3A_95, %dma_start3A_98] : memref<204800x128xf32, #tpu.memory_space<hbm>> -> memref<80x128xf32, #tpu.memory_space<hbm>>
      tpu.enqueue_dma source(%arg6 : memref<80x128xf32, #tpu.memory_space<vmem>>) target(%dma_start3A_99 : memref<80x128xf32, #tpu.memory_space<hbm>>) target_semaphore(%arg22 : memref<!tpu.dma_semaphore, #tpu.memory_space<semaphore_mem>>)
      %mul3A_100 = arith.constant 8 : i32
      %mul3A_101 = arith.muli %scan3A_78, %mul3A_100 : i32
      %add3A_102 = arith.constant 1 : i32
      %add3A_103 = arith.addi %mul3A_101, %add3A_102 : i32
      %add3A_104 = arith.constant 4 : i32
      %add3A_105 = arith.addi %add3A_103, %add3A_104 : i32
      %lt3A_106 = arith.constant 80 : i32
      %lt3A_107 = arith.cmpi slt, %add3A_105, %lt3A_106 : i32
      %convert_element_type3A_108 = arith.extui %lt3A_107 : i1 to i32
      %cond3A_109 = arith.constant 0 : i32
      %cond3A_110 = arith.cmpi ne, %convert_element_type3A_108, %cond3A_109 : i32
      scf.if %cond3A_110 {
        %ge3A = arith.constant 4 : i32
        %ge3A_268 = arith.cmpi sge, %add3A_103, %ge3A : i32
        %convert_element_type3A_269 = arith.extui %ge3A_268 : i1 to i32
        %cond3A_270 = arith.constant 0 : i32
        %cond3A_271 = arith.cmpi ne, %convert_element_type3A_269, %cond3A_270 : i32
        scf.if %cond3A_271 {
          %add3A_280 = arith.constant 4 : i32
          %add3A_281 = arith.addi %add3A_103, %add3A_280 : i32
          %mul3A_282 = arith.constant 80 : i32
          %mul3A_283 = arith.muli %add3A_281, %mul3A_282 : i32
          %add3A_284 = arith.addi %mul3A_2, %mul3A_283 : i32
          %dma_wait3A_285 = arith.constant 0 : i32
          %dma_wait3A_286 = tpu.memref_slice %arg4[%add3A_284, %dma_wait3A_285] : memref<204800x128xf32, #tpu.memory_space<hbm>> -> memref<80x128xf32, #tpu.memory_space<hbm>>
          %dma_wait3A_287 = arith.constant 0 : i32
          %dma_wait3A_288 = tpu.memref_slice %arg4[%add3A_284, %dma_wait3A_287] : memref<204800x128xf32, #tpu.memory_space<hbm>> -> memref<80x128xf32, #tpu.memory_space<hbm>>
          tpu.wait_dma2 semaphore(%arg27 : memref<!tpu.dma_semaphore, #tpu.memory_space<semaphore_mem>>) src(%arg11 : memref<80x128xf32, #tpu.memory_space<vmem>>) dst(%dma_wait3A_288 : memref<80x128xf32, #tpu.memory_space<hbm>>)
        } else {
        }
        %add3A_272 = arith.constant 4 : i32
        %add3A_273 = arith.addi %add3A_103, %add3A_272 : i32
        %mul3A_274 = arith.constant 80 : i32
        %mul3A_275 = arith.muli %add3A_273, %mul3A_274 : i32
        %dma_start3A_276 = tpu.memref_slice %arg5[%mul3A_275] : memref<6400xi32, #tpu.memory_space<vmem>> -> memref<80xi32, #tpu.memory_space<vmem>>
        %dma_start3A_277 = arith.constant 0 : i32
        %dma_start3A_278 = arith.constant 0 : i32
        %dma_start3A_279 = tpu.memref_slice %arg3[%dma_start3A_277, %dma_start3A_278] : memref<1000000x128xf32, #tpu.memory_space<hbm>> -> memref<1000000x128xf32, #tpu.memory_space<hbm>>
        tpu.enqueue_indirect_dma source(%dma_start3A_279 : memref<1000000x128xf32, #tpu.memory_space<hbm>>) target(%arg11 : memref<80x128xf32, #tpu.memory_space<vmem>>) offsets(%dma_start3A_276 : memref<80xi32, #tpu.memory_space<vmem>>) semaphore(%arg19 : memref<!tpu.dma_semaphore, #tpu.memory_space<semaphore_mem>>)
      } else {
      }
      %mul3A_111 = arith.constant 80 : i32
      %mul3A_112 = arith.muli %add3A_103, %mul3A_111 : i32
      %dma_wait3A_113 = tpu.memref_slice %arg5[%mul3A_112] : memref<6400xi32, #tpu.memory_space<vmem>> -> memref<80xi32, #tpu.memory_space<vmem>>
      %dma_wait3A_114 = arith.constant 0 : i32
      %dma_wait3A_115 = arith.constant 0 : i32
      %dma_wait3A_116 = tpu.memref_slice %arg3[%dma_wait3A_114, %dma_wait3A_115] : memref<1000000x128xf32, #tpu.memory_space<hbm>> -> memref<1000000x128xf32, #tpu.memory_space<hbm>>
      tpu.wait_indirect_dma semaphore(%arg15 : memref<!tpu.dma_semaphore, #tpu.memory_space<semaphore_mem>>) src(%dma_wait3A_116 : memref<1000000x128xf32, #tpu.memory_space<hbm>>) dst(%arg7 : memref<80x128xf32, #tpu.memory_space<vmem>>)
      %mul3A_117 = arith.constant 80 : i32
      %mul3A_118 = arith.muli %add3A_103, %mul3A_117 : i32
      %add3A_119 = arith.addi %mul3A_2, %mul3A_118 : i32
      %dma_start3A_120 = arith.constant 0 : i32
      %dma_start3A_121 = tpu.memref_slice %arg4[%add3A_119, %dma_start3A_120] : memref<204800x128xf32, #tpu.memory_space<hbm>> -> memref<80x128xf32, #tpu.memory_space<hbm>>
      %dma_start3A_122 = arith.constant 0 : i32
      %dma_start3A_123 = tpu.memref_slice %arg4[%add3A_119, %dma_start3A_122] : memref<204800x128xf32, #tpu.memory_space<hbm>> -> memref<80x128xf32, #tpu.memory_space<hbm>>
      tpu.enqueue_dma source(%arg7 : memref<80x128xf32, #tpu.memory_space<vmem>>) target(%dma_start3A_123 : memref<80x128xf32, #tpu.memory_space<hbm>>) target_semaphore(%arg23 : memref<!tpu.dma_semaphore, #tpu.memory_space<semaphore_mem>>)
      %mul3A_124 = arith.constant 8 : i32
      %mul3A_125 = arith.muli %scan3A_78, %mul3A_124 : i32
      %add3A_126 = arith.constant 2 : i32
      %add3A_127 = arith.addi %mul3A_125, %add3A_126 : i32
      %add3A_128 = arith.constant 4 : i32
      %add3A_129 = arith.addi %add3A_127, %add3A_128 : i32
      %lt3A_130 = arith.constant 80 : i32
      %lt3A_131 = arith.cmpi slt, %add3A_129, %lt3A_130 : i32
      %convert_element_type3A_132 = arith.extui %lt3A_131 : i1 to i32
      %cond3A_133 = arith.constant 0 : i32
      %cond3A_134 = arith.cmpi ne, %convert_element_type3A_132, %cond3A_133 : i32
      scf.if %cond3A_134 {
        %ge3A = arith.constant 4 : i32
        %ge3A_268 = arith.cmpi sge, %add3A_127, %ge3A : i32
        %convert_element_type3A_269 = arith.extui %ge3A_268 : i1 to i32
        %cond3A_270 = arith.constant 0 : i32
        %cond3A_271 = arith.cmpi ne, %convert_element_type3A_269, %cond3A_270 : i32
        scf.if %cond3A_271 {
          %add3A_280 = arith.constant 4 : i32
          %add3A_281 = arith.addi %add3A_127, %add3A_280 : i32
          %mul3A_282 = arith.constant 80 : i32
          %mul3A_283 = arith.muli %add3A_281, %mul3A_282 : i32
          %add3A_284 = arith.addi %mul3A_2, %mul3A_283 : i32
          %dma_wait3A_285 = arith.constant 0 : i32
          %dma_wait3A_286 = tpu.memref_slice %arg4[%add3A_284, %dma_wait3A_285] : memref<204800x128xf32, #tpu.memory_space<hbm>> -> memref<80x128xf32, #tpu.memory_space<hbm>>
          %dma_wait3A_287 = arith.constant 0 : i32
          %dma_wait3A_288 = tpu.memref_slice %arg4[%add3A_284, %dma_wait3A_287] : memref<204800x128xf32, #tpu.memory_space<hbm>> -> memref<80x128xf32, #tpu.memory_space<hbm>>
          tpu.wait_dma2 semaphore(%arg28 : memref<!tpu.dma_semaphore, #tpu.memory_space<semaphore_mem>>) src(%arg12 : memref<80x128xf32, #tpu.memory_space<vmem>>) dst(%dma_wait3A_288 : memref<80x128xf32, #tpu.memory_space<hbm>>)
        } else {
        }
        %add3A_272 = arith.constant 4 : i32
        %add3A_273 = arith.addi %add3A_127, %add3A_272 : i32
        %mul3A_274 = arith.constant 80 : i32
        %mul3A_275 = arith.muli %add3A_273, %mul3A_274 : i32
        %dma_start3A_276 = tpu.memref_slice %arg5[%mul3A_275] : memref<6400xi32, #tpu.memory_space<vmem>> -> memref<80xi32, #tpu.memory_space<vmem>>
        %dma_start3A_277 = arith.constant 0 : i32
        %dma_start3A_278 = arith.constant 0 : i32
        %dma_start3A_279 = tpu.memref_slice %arg3[%dma_start3A_277, %dma_start3A_278] : memref<1000000x128xf32, #tpu.memory_space<hbm>> -> memref<1000000x128xf32, #tpu.memory_space<hbm>>
        tpu.enqueue_indirect_dma source(%dma_start3A_279 : memref<1000000x128xf32, #tpu.memory_space<hbm>>) target(%arg12 : memref<80x128xf32, #tpu.memory_space<vmem>>) offsets(%dma_start3A_276 : memref<80xi32, #tpu.memory_space<vmem>>) semaphore(%arg20 : memref<!tpu.dma_semaphore, #tpu.memory_space<semaphore_mem>>)
      } else {
      }
      %mul3A_135 = arith.constant 80 : i32
      %mul3A_136 = arith.muli %add3A_127, %mul3A_135 : i32
      %dma_wait3A_137 = tpu.memref_slice %arg5[%mul3A_136] : memref<6400xi32, #tpu.memory_space<vmem>> -> memref<80xi32, #tpu.memory_space<vmem>>
      %dma_wait3A_138 = arith.constant 0 : i32
      %dma_wait3A_139 = arith.constant 0 : i32
      %dma_wait3A_140 = tpu.memref_slice %arg3[%dma_wait3A_138, %dma_wait3A_139] : memref<1000000x128xf32, #tpu.memory_space<hbm>> -> memref<1000000x128xf32, #tpu.memory_space<hbm>>
      tpu.wait_indirect_dma semaphore(%arg16 : memref<!tpu.dma_semaphore, #tpu.memory_space<semaphore_mem>>) src(%dma_wait3A_140 : memref<1000000x128xf32, #tpu.memory_space<hbm>>) dst(%arg8 : memref<80x128xf32, #tpu.memory_space<vmem>>)
      %mul3A_141 = arith.constant 80 : i32
      %mul3A_142 = arith.muli %add3A_127, %mul3A_141 : i32
      %add3A_143 = arith.addi %mul3A_2, %mul3A_142 : i32
      %dma_start3A_144 = arith.constant 0 : i32
      %dma_start3A_145 = tpu.memref_slice %arg4[%add3A_143, %dma_start3A_144] : memref<204800x128xf32, #tpu.memory_space<hbm>> -> memref<80x128xf32, #tpu.memory_space<hbm>>
      %dma_start3A_146 = arith.constant 0 : i32
      %dma_start3A_147 = tpu.memref_slice %arg4[%add3A_143, %dma_start3A_146] : memref<204800x128xf32, #tpu.memory_space<hbm>> -> memref<80x128xf32, #tpu.memory_space<hbm>>
      tpu.enqueue_dma source(%arg8 : memref<80x128xf32, #tpu.memory_space<vmem>>) target(%dma_start3A_147 : memref<80x128xf32, #tpu.memory_space<hbm>>) target_semaphore(%arg24 : memref<!tpu.dma_semaphore, #tpu.memory_space<semaphore_mem>>)
      %mul3A_148 = arith.constant 8 : i32
      %mul3A_149 = arith.muli %scan3A_78, %mul3A_148 : i32
      %add3A_150 = arith.constant 3 : i32
      %add3A_151 = arith.addi %mul3A_149, %add3A_150 : i32
      %add3A_152 = arith.constant 4 : i32
      %add3A_153 = arith.addi %add3A_151, %add3A_152 : i32
      %lt3A_154 = arith.constant 80 : i32
      %lt3A_155 = arith.cmpi slt, %add3A_153, %lt3A_154 : i32
      %convert_element_type3A_156 = arith.extui %lt3A_155 : i1 to i32
      %cond3A_157 = arith.constant 0 : i32
      %cond3A_158 = arith.cmpi ne, %convert_element_type3A_156, %cond3A_157 : i32
      scf.if %cond3A_158 {
        %ge3A = arith.constant 4 : i32
        %ge3A_268 = arith.cmpi sge, %add3A_151, %ge3A : i32
        %convert_element_type3A_269 = arith.extui %ge3A_268 : i1 to i32
        %cond3A_270 = arith.constant 0 : i32
        %cond3A_271 = arith.cmpi ne, %convert_element_type3A_269, %cond3A_270 : i32
        scf.if %cond3A_271 {
          %add3A_280 = arith.constant 4 : i32
          %add3A_281 = arith.addi %add3A_151, %add3A_280 : i32
          %mul3A_282 = arith.constant 80 : i32
          %mul3A_283 = arith.muli %add3A_281, %mul3A_282 : i32
          %add3A_284 = arith.addi %mul3A_2, %mul3A_283 : i32
          %dma_wait3A_285 = arith.constant 0 : i32
          %dma_wait3A_286 = tpu.memref_slice %arg4[%add3A_284, %dma_wait3A_285] : memref<204800x128xf32, #tpu.memory_space<hbm>> -> memref<80x128xf32, #tpu.memory_space<hbm>>
          %dma_wait3A_287 = arith.constant 0 : i32
          %dma_wait3A_288 = tpu.memref_slice %arg4[%add3A_284, %dma_wait3A_287] : memref<204800x128xf32, #tpu.memory_space<hbm>> -> memref<80x128xf32, #tpu.memory_space<hbm>>
          tpu.wait_dma2 semaphore(%arg29 : memref<!tpu.dma_semaphore, #tpu.memory_space<semaphore_mem>>) src(%arg13 : memref<80x128xf32, #tpu.memory_space<vmem>>) dst(%dma_wait3A_288 : memref<80x128xf32, #tpu.memory_space<hbm>>)
        } else {
        }
        %add3A_272 = arith.constant 4 : i32
        %add3A_273 = arith.addi %add3A_151, %add3A_272 : i32
        %mul3A_274 = arith.constant 80 : i32
        %mul3A_275 = arith.muli %add3A_273, %mul3A_274 : i32
        %dma_start3A_276 = tpu.memref_slice %arg5[%mul3A_275] : memref<6400xi32, #tpu.memory_space<vmem>> -> memref<80xi32, #tpu.memory_space<vmem>>
        %dma_start3A_277 = arith.constant 0 : i32
        %dma_start3A_278 = arith.constant 0 : i32
        %dma_start3A_279 = tpu.memref_slice %arg3[%dma_start3A_277, %dma_start3A_278] : memref<1000000x128xf32, #tpu.memory_space<hbm>> -> memref<1000000x128xf32, #tpu.memory_space<hbm>>
        tpu.enqueue_indirect_dma source(%dma_start3A_279 : memref<1000000x128xf32, #tpu.memory_space<hbm>>) target(%arg13 : memref<80x128xf32, #tpu.memory_space<vmem>>) offsets(%dma_start3A_276 : memref<80xi32, #tpu.memory_space<vmem>>) semaphore(%arg21 : memref<!tpu.dma_semaphore, #tpu.memory_space<semaphore_mem>>)
      } else {
      }
      %mul3A_159 = arith.constant 80 : i32
      %mul3A_160 = arith.muli %add3A_151, %mul3A_159 : i32
      %dma_wait3A_161 = tpu.memref_slice %arg5[%mul3A_160] : memref<6400xi32, #tpu.memory_space<vmem>> -> memref<80xi32, #tpu.memory_space<vmem>>
      %dma_wait3A_162 = arith.constant 0 : i32
      %dma_wait3A_163 = arith.constant 0 : i32
      %dma_wait3A_164 = tpu.memref_slice %arg3[%dma_wait3A_162, %dma_wait3A_163] : memref<1000000x128xf32, #tpu.memory_space<hbm>> -> memref<1000000x128xf32, #tpu.memory_space<hbm>>
      tpu.wait_indirect_dma semaphore(%arg17 : memref<!tpu.dma_semaphore, #tpu.memory_space<semaphore_mem>>) src(%dma_wait3A_164 : memref<1000000x128xf32, #tpu.memory_space<hbm>>) dst(%arg9 : memref<80x128xf32, #tpu.memory_space<vmem>>)
      %mul3A_165 = arith.constant 80 : i32
      %mul3A_166 = arith.muli %add3A_151, %mul3A_165 : i32
      %add3A_167 = arith.addi %mul3A_2, %mul3A_166 : i32
      %dma_start3A_168 = arith.constant 0 : i32
      %dma_start3A_169 = tpu.memref_slice %arg4[%add3A_167, %dma_start3A_168] : memref<204800x128xf32, #tpu.memory_space<hbm>> -> memref<80x128xf32, #tpu.memory_space<hbm>>
      %dma_start3A_170 = arith.constant 0 : i32
      %dma_start3A_171 = tpu.memref_slice %arg4[%add3A_167, %dma_start3A_170] : memref<204800x128xf32, #tpu.memory_space<hbm>> -> memref<80x128xf32, #tpu.memory_space<hbm>>
      tpu.enqueue_dma source(%arg9 : memref<80x128xf32, #tpu.memory_space<vmem>>) target(%dma_start3A_171 : memref<80x128xf32, #tpu.memory_space<hbm>>) target_semaphore(%arg25 : memref<!tpu.dma_semaphore, #tpu.memory_space<semaphore_mem>>)
      %mul3A_172 = arith.constant 8 : i32
      %mul3A_173 = arith.muli %scan3A_78, %mul3A_172 : i32
      %add3A_174 = arith.constant 4 : i32
      %add3A_175 = arith.addi %mul3A_173, %add3A_174 : i32
      %add3A_176 = arith.constant 4 : i32
      %add3A_177 = arith.addi %add3A_175, %add3A_176 : i32
      %lt3A_178 = arith.constant 80 : i32
      %lt3A_179 = arith.cmpi slt, %add3A_177, %lt3A_178 : i32
      %convert_element_type3A_180 = arith.extui %lt3A_179 : i1 to i32
      %cond3A_181 = arith.constant 0 : i32
      %cond3A_182 = arith.cmpi ne, %convert_element_type3A_180, %cond3A_181 : i32
      scf.if %cond3A_182 {
        %ge3A = arith.constant 4 : i32
        %ge3A_268 = arith.cmpi sge, %add3A_175, %ge3A : i32
        %convert_element_type3A_269 = arith.extui %ge3A_268 : i1 to i32
        %cond3A_270 = arith.constant 0 : i32
        %cond3A_271 = arith.cmpi ne, %convert_element_type3A_269, %cond3A_270 : i32
        scf.if %cond3A_271 {
          %add3A_280 = arith.constant 4 : i32
          %add3A_281 = arith.addi %add3A_175, %add3A_280 : i32
          %mul3A_282 = arith.constant 80 : i32
          %mul3A_283 = arith.muli %add3A_281, %mul3A_282 : i32
          %add3A_284 = arith.addi %mul3A_2, %mul3A_283 : i32
          %dma_wait3A_285 = arith.constant 0 : i32
          %dma_wait3A_286 = tpu.memref_slice %arg4[%add3A_284, %dma_wait3A_285] : memref<204800x128xf32, #tpu.memory_space<hbm>> -> memref<80x128xf32, #tpu.memory_space<hbm>>
          %dma_wait3A_287 = arith.constant 0 : i32
          %dma_wait3A_288 = tpu.memref_slice %arg4[%add3A_284, %dma_wait3A_287] : memref<204800x128xf32, #tpu.memory_space<hbm>> -> memref<80x128xf32, #tpu.memory_space<hbm>>
          tpu.wait_dma2 semaphore(%arg22 : memref<!tpu.dma_semaphore, #tpu.memory_space<semaphore_mem>>) src(%arg6 : memref<80x128xf32, #tpu.memory_space<vmem>>) dst(%dma_wait3A_288 : memref<80x128xf32, #tpu.memory_space<hbm>>)
        } else {
        }
        %add3A_272 = arith.constant 4 : i32
        %add3A_273 = arith.addi %add3A_175, %add3A_272 : i32
        %mul3A_274 = arith.constant 80 : i32
        %mul3A_275 = arith.muli %add3A_273, %mul3A_274 : i32
        %dma_start3A_276 = tpu.memref_slice %arg5[%mul3A_275] : memref<6400xi32, #tpu.memory_space<vmem>> -> memref<80xi32, #tpu.memory_space<vmem>>
        %dma_start3A_277 = arith.constant 0 : i32
        %dma_start3A_278 = arith.constant 0 : i32
        %dma_start3A_279 = tpu.memref_slice %arg3[%dma_start3A_277, %dma_start3A_278] : memref<1000000x128xf32, #tpu.memory_space<hbm>> -> memref<1000000x128xf32, #tpu.memory_space<hbm>>
        tpu.enqueue_indirect_dma source(%dma_start3A_279 : memref<1000000x128xf32, #tpu.memory_space<hbm>>) target(%arg6 : memref<80x128xf32, #tpu.memory_space<vmem>>) offsets(%dma_start3A_276 : memref<80xi32, #tpu.memory_space<vmem>>) semaphore(%arg14 : memref<!tpu.dma_semaphore, #tpu.memory_space<semaphore_mem>>)
      } else {
      }
      %mul3A_183 = arith.constant 80 : i32
      %mul3A_184 = arith.muli %add3A_175, %mul3A_183 : i32
      %dma_wait3A_185 = tpu.memref_slice %arg5[%mul3A_184] : memref<6400xi32, #tpu.memory_space<vmem>> -> memref<80xi32, #tpu.memory_space<vmem>>
      %dma_wait3A_186 = arith.constant 0 : i32
      %dma_wait3A_187 = arith.constant 0 : i32
      %dma_wait3A_188 = tpu.memref_slice %arg3[%dma_wait3A_186, %dma_wait3A_187] : memref<1000000x128xf32, #tpu.memory_space<hbm>> -> memref<1000000x128xf32, #tpu.memory_space<hbm>>
      tpu.wait_indirect_dma semaphore(%arg18 : memref<!tpu.dma_semaphore, #tpu.memory_space<semaphore_mem>>) src(%dma_wait3A_188 : memref<1000000x128xf32, #tpu.memory_space<hbm>>) dst(%arg10 : memref<80x128xf32, #tpu.memory_space<vmem>>)
      %mul3A_189 = arith.constant 80 : i32
      %mul3A_190 = arith.muli %add3A_175, %mul3A_189 : i32
      %add3A_191 = arith.addi %mul3A_2, %mul3A_190 : i32
      %dma_start3A_192 = arith.constant 0 : i32
      %dma_start3A_193 = tpu.memref_slice %arg4[%add3A_191, %dma_start3A_192] : memref<204800x128xf32, #tpu.memory_space<hbm>> -> memref<80x128xf32, #tpu.memory_space<hbm>>
      %dma_start3A_194 = arith.constant 0 : i32
      %dma_start3A_195 = tpu.memref_slice %arg4[%add3A_191, %dma_start3A_194] : memref<204800x128xf32, #tpu.memory_space<hbm>> -> memref<80x128xf32, #tpu.memory_space<hbm>>
      tpu.enqueue_dma source(%arg10 : memref<80x128xf32, #tpu.memory_space<vmem>>) target(%dma_start3A_195 : memref<80x128xf32, #tpu.memory_space<hbm>>) target_semaphore(%arg26 : memref<!tpu.dma_semaphore, #tpu.memory_space<semaphore_mem>>)
      %mul3A_196 = arith.constant 8 : i32
      %mul3A_197 = arith.muli %scan3A_78, %mul3A_196 : i32
      %add3A_198 = arith.constant 5 : i32
      %add3A_199 = arith.addi %mul3A_197, %add3A_198 : i32
      %add3A_200 = arith.constant 4 : i32
      %add3A_201 = arith.addi %add3A_199, %add3A_200 : i32
      %lt3A_202 = arith.constant 80 : i32
      %lt3A_203 = arith.cmpi slt, %add3A_201, %lt3A_202 : i32
      %convert_element_type3A_204 = arith.extui %lt3A_203 : i1 to i32
      %cond3A_205 = arith.constant 0 : i32
      %cond3A_206 = arith.cmpi ne, %convert_element_type3A_204, %cond3A_205 : i32
      scf.if %cond3A_206 {
        %ge3A = arith.constant 4 : i32
        %ge3A_268 = arith.cmpi sge, %add3A_199, %ge3A : i32
        %convert_element_type3A_269 = arith.extui %ge3A_268 : i1 to i32
        %cond3A_270 = arith.constant 0 : i32
        %cond3A_271 = arith.cmpi ne, %convert_element_type3A_269, %cond3A_270 : i32
        scf.if %cond3A_271 {
          %add3A_280 = arith.constant 4 : i32
          %add3A_281 = arith.addi %add3A_199, %add3A_280 : i32
          %mul3A_282 = arith.constant 80 : i32
          %mul3A_283 = arith.muli %add3A_281, %mul3A_282 : i32
          %add3A_284 = arith.addi %mul3A_2, %mul3A_283 : i32
          %dma_wait3A_285 = arith.constant 0 : i32
          %dma_wait3A_286 = tpu.memref_slice %arg4[%add3A_284, %dma_wait3A_285] : memref<204800x128xf32, #tpu.memory_space<hbm>> -> memref<80x128xf32, #tpu.memory_space<hbm>>
          %dma_wait3A_287 = arith.constant 0 : i32
          %dma_wait3A_288 = tpu.memref_slice %arg4[%add3A_284, %dma_wait3A_287] : memref<204800x128xf32, #tpu.memory_space<hbm>> -> memref<80x128xf32, #tpu.memory_space<hbm>>
          tpu.wait_dma2 semaphore(%arg23 : memref<!tpu.dma_semaphore, #tpu.memory_space<semaphore_mem>>) src(%arg7 : memref<80x128xf32, #tpu.memory_space<vmem>>) dst(%dma_wait3A_288 : memref<80x128xf32, #tpu.memory_space<hbm>>)
        } else {
        }
        %add3A_272 = arith.constant 4 : i32
        %add3A_273 = arith.addi %add3A_199, %add3A_272 : i32
        %mul3A_274 = arith.constant 80 : i32
        %mul3A_275 = arith.muli %add3A_273, %mul3A_274 : i32
        %dma_start3A_276 = tpu.memref_slice %arg5[%mul3A_275] : memref<6400xi32, #tpu.memory_space<vmem>> -> memref<80xi32, #tpu.memory_space<vmem>>
        %dma_start3A_277 = arith.constant 0 : i32
        %dma_start3A_278 = arith.constant 0 : i32
        %dma_start3A_279 = tpu.memref_slice %arg3[%dma_start3A_277, %dma_start3A_278] : memref<1000000x128xf32, #tpu.memory_space<hbm>> -> memref<1000000x128xf32, #tpu.memory_space<hbm>>
        tpu.enqueue_indirect_dma source(%dma_start3A_279 : memref<1000000x128xf32, #tpu.memory_space<hbm>>) target(%arg7 : memref<80x128xf32, #tpu.memory_space<vmem>>) offsets(%dma_start3A_276 : memref<80xi32, #tpu.memory_space<vmem>>) semaphore(%arg15 : memref<!tpu.dma_semaphore, #tpu.memory_space<semaphore_mem>>)
      } else {
      }
      %mul3A_207 = arith.constant 80 : i32
      %mul3A_208 = arith.muli %add3A_199, %mul3A_207 : i32
      %dma_wait3A_209 = tpu.memref_slice %arg5[%mul3A_208] : memref<6400xi32, #tpu.memory_space<vmem>> -> memref<80xi32, #tpu.memory_space<vmem>>
      %dma_wait3A_210 = arith.constant 0 : i32
      %dma_wait3A_211 = arith.constant 0 : i32
      %dma_wait3A_212 = tpu.memref_slice %arg3[%dma_wait3A_210, %dma_wait3A_211] : memref<1000000x128xf32, #tpu.memory_space<hbm>> -> memref<1000000x128xf32, #tpu.memory_space<hbm>>
      tpu.wait_indirect_dma semaphore(%arg19 : memref<!tpu.dma_semaphore, #tpu.memory_space<semaphore_mem>>) src(%dma_wait3A_212 : memref<1000000x128xf32, #tpu.memory_space<hbm>>) dst(%arg11 : memref<80x128xf32, #tpu.memory_space<vmem>>)
      %mul3A_213 = arith.constant 80 : i32
      %mul3A_214 = arith.muli %add3A_199, %mul3A_213 : i32
      %add3A_215 = arith.addi %mul3A_2, %mul3A_214 : i32
      %dma_start3A_216 = arith.constant 0 : i32
      %dma_start3A_217 = tpu.memref_slice %arg4[%add3A_215, %dma_start3A_216] : memref<204800x128xf32, #tpu.memory_space<hbm>> -> memref<80x128xf32, #tpu.memory_space<hbm>>
      %dma_start3A_218 = arith.constant 0 : i32
      %dma_start3A_219 = tpu.memref_slice %arg4[%add3A_215, %dma_start3A_218] : memref<204800x128xf32, #tpu.memory_space<hbm>> -> memref<80x128xf32, #tpu.memory_space<hbm>>
      tpu.enqueue_dma source(%arg11 : memref<80x128xf32, #tpu.memory_space<vmem>>) target(%dma_start3A_219 : memref<80x128xf32, #tpu.memory_space<hbm>>) target_semaphore(%arg27 : memref<!tpu.dma_semaphore, #tpu.memory_space<semaphore_mem>>)
      %mul3A_220 = arith.constant 8 : i32
      %mul3A_221 = arith.muli %scan3A_78, %mul3A_220 : i32
      %add3A_222 = arith.constant 6 : i32
      %add3A_223 = arith.addi %mul3A_221, %add3A_222 : i32
      %add3A_224 = arith.constant 4 : i32
      %add3A_225 = arith.addi %add3A_223, %add3A_224 : i32
      %lt3A_226 = arith.constant 80 : i32
      %lt3A_227 = arith.cmpi slt, %add3A_225, %lt3A_226 : i32
      %convert_element_type3A_228 = arith.extui %lt3A_227 : i1 to i32
      %cond3A_229 = arith.constant 0 : i32
      %cond3A_230 = arith.cmpi ne, %convert_element_type3A_228, %cond3A_229 : i32
      scf.if %cond3A_230 {
        %ge3A = arith.constant 4 : i32
        %ge3A_268 = arith.cmpi sge, %add3A_223, %ge3A : i32
        %convert_element_type3A_269 = arith.extui %ge3A_268 : i1 to i32
        %cond3A_270 = arith.constant 0 : i32
        %cond3A_271 = arith.cmpi ne, %convert_element_type3A_269, %cond3A_270 : i32
        scf.if %cond3A_271 {
          %add3A_280 = arith.constant 4 : i32
          %add3A_281 = arith.addi %add3A_223, %add3A_280 : i32
          %mul3A_282 = arith.constant 80 : i32
          %mul3A_283 = arith.muli %add3A_281, %mul3A_282 : i32
          %add3A_284 = arith.addi %mul3A_2, %mul3A_283 : i32
          %dma_wait3A_285 = arith.constant 0 : i32
          %dma_wait3A_286 = tpu.memref_slice %arg4[%add3A_284, %dma_wait3A_285] : memref<204800x128xf32, #tpu.memory_space<hbm>> -> memref<80x128xf32, #tpu.memory_space<hbm>>
          %dma_wait3A_287 = arith.constant 0 : i32
          %dma_wait3A_288 = tpu.memref_slice %arg4[%add3A_284, %dma_wait3A_287] : memref<204800x128xf32, #tpu.memory_space<hbm>> -> memref<80x128xf32, #tpu.memory_space<hbm>>
          tpu.wait_dma2 semaphore(%arg24 : memref<!tpu.dma_semaphore, #tpu.memory_space<semaphore_mem>>) src(%arg8 : memref<80x128xf32, #tpu.memory_space<vmem>>) dst(%dma_wait3A_288 : memref<80x128xf32, #tpu.memory_space<hbm>>)
        } else {
        }
        %add3A_272 = arith.constant 4 : i32
        %add3A_273 = arith.addi %add3A_223, %add3A_272 : i32
        %mul3A_274 = arith.constant 80 : i32
        %mul3A_275 = arith.muli %add3A_273, %mul3A_274 : i32
        %dma_start3A_276 = tpu.memref_slice %arg5[%mul3A_275] : memref<6400xi32, #tpu.memory_space<vmem>> -> memref<80xi32, #tpu.memory_space<vmem>>
        %dma_start3A_277 = arith.constant 0 : i32
        %dma_start3A_278 = arith.constant 0 : i32
        %dma_start3A_279 = tpu.memref_slice %arg3[%dma_start3A_277, %dma_start3A_278] : memref<1000000x128xf32, #tpu.memory_space<hbm>> -> memref<1000000x128xf32, #tpu.memory_space<hbm>>
        tpu.enqueue_indirect_dma source(%dma_start3A_279 : memref<1000000x128xf32, #tpu.memory_space<hbm>>) target(%arg8 : memref<80x128xf32, #tpu.memory_space<vmem>>) offsets(%dma_start3A_276 : memref<80xi32, #tpu.memory_space<vmem>>) semaphore(%arg16 : memref<!tpu.dma_semaphore, #tpu.memory_space<semaphore_mem>>)
      } else {
      }
      %mul3A_231 = arith.constant 80 : i32
      %mul3A_232 = arith.muli %add3A_223, %mul3A_231 : i32
      %dma_wait3A_233 = tpu.memref_slice %arg5[%mul3A_232] : memref<6400xi32, #tpu.memory_space<vmem>> -> memref<80xi32, #tpu.memory_space<vmem>>
      %dma_wait3A_234 = arith.constant 0 : i32
      %dma_wait3A_235 = arith.constant 0 : i32
      %dma_wait3A_236 = tpu.memref_slice %arg3[%dma_wait3A_234, %dma_wait3A_235] : memref<1000000x128xf32, #tpu.memory_space<hbm>> -> memref<1000000x128xf32, #tpu.memory_space<hbm>>
      tpu.wait_indirect_dma semaphore(%arg20 : memref<!tpu.dma_semaphore, #tpu.memory_space<semaphore_mem>>) src(%dma_wait3A_236 : memref<1000000x128xf32, #tpu.memory_space<hbm>>) dst(%arg12 : memref<80x128xf32, #tpu.memory_space<vmem>>)
      %mul3A_237 = arith.constant 80 : i32
      %mul3A_238 = arith.muli %add3A_223, %mul3A_237 : i32
      %add3A_239 = arith.addi %mul3A_2, %mul3A_238 : i32
      %dma_start3A_240 = arith.constant 0 : i32
      %dma_start3A_241 = tpu.memref_slice %arg4[%add3A_239, %dma_start3A_240] : memref<204800x128xf32, #tpu.memory_space<hbm>> -> memref<80x128xf32, #tpu.memory_space<hbm>>
      %dma_start3A_242 = arith.constant 0 : i32
      %dma_start3A_243 = tpu.memref_slice %arg4[%add3A_239, %dma_start3A_242] : memref<204800x128xf32, #tpu.memory_space<hbm>> -> memref<80x128xf32, #tpu.memory_space<hbm>>
      tpu.enqueue_dma source(%arg12 : memref<80x128xf32, #tpu.memory_space<vmem>>) target(%dma_start3A_243 : memref<80x128xf32, #tpu.memory_space<hbm>>) target_semaphore(%arg28 : memref<!tpu.dma_semaphore, #tpu.memory_space<semaphore_mem>>)
      %mul3A_244 = arith.constant 8 : i32
      %mul3A_245 = arith.muli %scan3A_78, %mul3A_244 : i32
      %add3A_246 = arith.constant 7 : i32
      %add3A_247 = arith.addi %mul3A_245, %add3A_246 : i32
      %add3A_248 = arith.constant 4 : i32
      %add3A_249 = arith.addi %add3A_247, %add3A_248 : i32
      %lt3A_250 = arith.constant 80 : i32
      %lt3A_251 = arith.cmpi slt, %add3A_249, %lt3A_250 : i32
      %convert_element_type3A_252 = arith.extui %lt3A_251 : i1 to i32
      %cond3A_253 = arith.constant 0 : i32
      %cond3A_254 = arith.cmpi ne, %convert_element_type3A_252, %cond3A_253 : i32
      scf.if %cond3A_254 {
        %ge3A = arith.constant 4 : i32
        %ge3A_268 = arith.cmpi sge, %add3A_247, %ge3A : i32
        %convert_element_type3A_269 = arith.extui %ge3A_268 : i1 to i32
        %cond3A_270 = arith.constant 0 : i32
        %cond3A_271 = arith.cmpi ne, %convert_element_type3A_269, %cond3A_270 : i32
        scf.if %cond3A_271 {
          %add3A_280 = arith.constant 4 : i32
          %add3A_281 = arith.addi %add3A_247, %add3A_280 : i32
          %mul3A_282 = arith.constant 80 : i32
          %mul3A_283 = arith.muli %add3A_281, %mul3A_282 : i32
          %add3A_284 = arith.addi %mul3A_2, %mul3A_283 : i32
          %dma_wait3A_285 = arith.constant 0 : i32
          %dma_wait3A_286 = tpu.memref_slice %arg4[%add3A_284, %dma_wait3A_285] : memref<204800x128xf32, #tpu.memory_space<hbm>> -> memref<80x128xf32, #tpu.memory_space<hbm>>
          %dma_wait3A_287 = arith.constant 0 : i32
          %dma_wait3A_288 = tpu.memref_slice %arg4[%add3A_284, %dma_wait3A_287] : memref<204800x128xf32, #tpu.memory_space<hbm>> -> memref<80x128xf32, #tpu.memory_space<hbm>>
          tpu.wait_dma2 semaphore(%arg25 : memref<!tpu.dma_semaphore, #tpu.memory_space<semaphore_mem>>) src(%arg9 : memref<80x128xf32, #tpu.memory_space<vmem>>) dst(%dma_wait3A_288 : memref<80x128xf32, #tpu.memory_space<hbm>>)
        } else {
        }
        %add3A_272 = arith.constant 4 : i32
        %add3A_273 = arith.addi %add3A_247, %add3A_272 : i32
        %mul3A_274 = arith.constant 80 : i32
        %mul3A_275 = arith.muli %add3A_273, %mul3A_274 : i32
        %dma_start3A_276 = tpu.memref_slice %arg5[%mul3A_275] : memref<6400xi32, #tpu.memory_space<vmem>> -> memref<80xi32, #tpu.memory_space<vmem>>
        %dma_start3A_277 = arith.constant 0 : i32
        %dma_start3A_278 = arith.constant 0 : i32
        %dma_start3A_279 = tpu.memref_slice %arg3[%dma_start3A_277, %dma_start3A_278] : memref<1000000x128xf32, #tpu.memory_space<hbm>> -> memref<1000000x128xf32, #tpu.memory_space<hbm>>
        tpu.enqueue_indirect_dma source(%dma_start3A_279 : memref<1000000x128xf32, #tpu.memory_space<hbm>>) target(%arg9 : memref<80x128xf32, #tpu.memory_space<vmem>>) offsets(%dma_start3A_276 : memref<80xi32, #tpu.memory_space<vmem>>) semaphore(%arg17 : memref<!tpu.dma_semaphore, #tpu.memory_space<semaphore_mem>>)
      } else {
      }
      %mul3A_255 = arith.constant 80 : i32
      %mul3A_256 = arith.muli %add3A_247, %mul3A_255 : i32
      %dma_wait3A_257 = tpu.memref_slice %arg5[%mul3A_256] : memref<6400xi32, #tpu.memory_space<vmem>> -> memref<80xi32, #tpu.memory_space<vmem>>
      %dma_wait3A_258 = arith.constant 0 : i32
      %dma_wait3A_259 = arith.constant 0 : i32
      %dma_wait3A_260 = tpu.memref_slice %arg3[%dma_wait3A_258, %dma_wait3A_259] : memref<1000000x128xf32, #tpu.memory_space<hbm>> -> memref<1000000x128xf32, #tpu.memory_space<hbm>>
      tpu.wait_indirect_dma semaphore(%arg21 : memref<!tpu.dma_semaphore, #tpu.memory_space<semaphore_mem>>) src(%dma_wait3A_260 : memref<1000000x128xf32, #tpu.memory_space<hbm>>) dst(%arg13 : memref<80x128xf32, #tpu.memory_space<vmem>>)
      %mul3A_261 = arith.constant 80 : i32
      %mul3A_262 = arith.muli %add3A_247, %mul3A_261 : i32
      %add3A_263 = arith.addi %mul3A_2, %mul3A_262 : i32
      %dma_start3A_264 = arith.constant 0 : i32
      %dma_start3A_265 = tpu.memref_slice %arg4[%add3A_263, %dma_start3A_264] : memref<204800x128xf32, #tpu.memory_space<hbm>> -> memref<80x128xf32, #tpu.memory_space<hbm>>
      %dma_start3A_266 = arith.constant 0 : i32
      %dma_start3A_267 = tpu.memref_slice %arg4[%add3A_263, %dma_start3A_266] : memref<204800x128xf32, #tpu.memory_space<hbm>> -> memref<80x128xf32, #tpu.memory_space<hbm>>
      tpu.enqueue_dma source(%arg13 : memref<80x128xf32, #tpu.memory_space<vmem>>) target(%dma_start3A_267 : memref<80x128xf32, #tpu.memory_space<hbm>>) target_semaphore(%arg29 : memref<!tpu.dma_semaphore, #tpu.memory_space<semaphore_mem>>)
    }
    %scan3A_53 = arith.constant 10 : i32
    %add3A_54 = arith.constant 6080 : i32
    %add3A_55 = arith.addi %mul3A_2, %add3A_54 : i32
    %dma_wait3A_56 = arith.constant 0 : i32
    %dma_wait3A_57 = tpu.memref_slice %arg4[%add3A_55, %dma_wait3A_56] : memref<204800x128xf32, #tpu.memory_space<hbm>> -> memref<80x128xf32, #tpu.memory_space<hbm>>
    %dma_wait3A_58 = arith.constant 0 : i32
    %dma_wait3A_59 = tpu.memref_slice %arg4[%add3A_55, %dma_wait3A_58] : memref<204800x128xf32, #tpu.memory_space<hbm>> -> memref<80x128xf32, #tpu.memory_space<hbm>>
    tpu.wait_dma2 semaphore(%arg26 : memref<!tpu.dma_semaphore, #tpu.memory_space<semaphore_mem>>) src(%arg10 : memref<80x128xf32, #tpu.memory_space<vmem>>) dst(%dma_wait3A_59 : memref<80x128xf32, #tpu.memory_space<hbm>>)
    %add3A_60 = arith.constant 6160 : i32
    %add3A_61 = arith.addi %mul3A_2, %add3A_60 : i32
    %dma_wait3A_62 = arith.constant 0 : i32
    %dma_wait3A_63 = tpu.memref_slice %arg4[%add3A_61, %dma_wait3A_62] : memref<204800x128xf32, #tpu.memory_space<hbm>> -> memref<80x128xf32, #tpu.memory_space<hbm>>
    %dma_wait3A_64 = arith.constant 0 : i32
    %dma_wait3A_65 = tpu.memref_slice %arg4[%add3A_61, %dma_wait3A_64] : memref<204800x128xf32, #tpu.memory_space<hbm>> -> memref<80x128xf32, #tpu.memory_space<hbm>>
    tpu.wait_dma2 semaphore(%arg27 : memref<!tpu.dma_semaphore, #tpu.memory_space<semaphore_mem>>) src(%arg11 : memref<80x128xf32, #tpu.memory_space<vmem>>) dst(%dma_wait3A_65 : memref<80x128xf32, #tpu.memory_space<hbm>>)
    %add3A_66 = arith.constant 6240 : i32
    %add3A_67 = arith.addi %mul3A_2, %add3A_66 : i32
    %dma_wait3A_68 = arith.constant 0 : i32
    %dma_wait3A_69 = tpu.memref_slice %arg4[%add3A_67, %dma_wait3A_68] : memref<204800x128xf32, #tpu.memory_space<hbm>> -> memref<80x128xf32, #tpu.memory_space<hbm>>
    %dma_wait3A_70 = arith.constant 0 : i32
    %dma_wait3A_71 = tpu.memref_slice %arg4[%add3A_67, %dma_wait3A_70] : memref<204800x128xf32, #tpu.memory_space<hbm>> -> memref<80x128xf32, #tpu.memory_space<hbm>>
    tpu.wait_dma2 semaphore(%arg28 : memref<!tpu.dma_semaphore, #tpu.memory_space<semaphore_mem>>) src(%arg12 : memref<80x128xf32, #tpu.memory_space<vmem>>) dst(%dma_wait3A_71 : memref<80x128xf32, #tpu.memory_space<hbm>>)
    %add3A_72 = arith.constant 6320 : i32
    %add3A_73 = arith.addi %mul3A_2, %add3A_72 : i32
    %dma_wait3A_74 = arith.constant 0 : i32
    %dma_wait3A_75 = tpu.memref_slice %arg4[%add3A_73, %dma_wait3A_74] : memref<204800x128xf32, #tpu.memory_space<hbm>> -> memref<80x128xf32, #tpu.memory_space<hbm>>
    %dma_wait3A_76 = arith.constant 0 : i32
    %dma_wait3A_77 = tpu.memref_slice %arg4[%add3A_73, %dma_wait3A_76] : memref<204800x128xf32, #tpu.memory_space<hbm>> -> memref<80x128xf32, #tpu.memory_space<hbm>>
    tpu.wait_dma2 semaphore(%arg29 : memref<!tpu.dma_semaphore, #tpu.memory_space<semaphore_mem>>) src(%arg13 : memref<80x128xf32, #tpu.memory_space<vmem>>) dst(%dma_wait3A_77 : memref<80x128xf32, #tpu.memory_space<hbm>>)
    return
  }
}

</mosaic_0001>

<sc_bundles>
// kernel: kernel.3.cloned.1.call-start
scs
__scs_entry_jumppad:
0x0: {  	(pc) =	sbr.rel $0x88, $3  }
0x1: {  	(tag) =	ssettag $0x0;
	lr =	simm.s32 $0x1  }
0x2: {  	[smem:$0x3F9F] =	sst lr;
	_ =	strace $0xD0000000  }
0x3: {  	_ = 	snop  }
0x4: {  	_ = 	snop  }
0x5: {  	_ = 	snop  }
0x6: {  	_ = 	snop  }
0x7: {  	_ = 	snop  }
__scs_overlays_trampoline_lowered:
0x8: {  	[smem:$0x3FAE] =	sst s0  }
0x9: {  	[smem:$0x3FAF] =	sst s1  }
0xa: {  	[smem:$0x3FB0] =	sst s2  }
0xb: {  	[smem:$0x3FB1] =	sst s3  }
0xc: {  	[smem:$0x3FB2] =	sst s4  }
0xd: {  	[smem:$0x3FB3] =	sst s5  }
0xe: {  	[smem:$0x3FB4] =	sst s6  }
0xf: {  	[smem:$0x3FB5] =	sst s7  }
0x10: {  	[smem:$0x3FB6] =	sst s8  }
0x11: {  	[smem:$0x3FB7] =	sst s9;
	s0 =	simm.s32 @!p0 $0x0  }
0x12: {  	s1 =	sld [smem:$0x3F9D];
	s0 =	simm.s32 @p0 $0x1  }
0x13: {  	[smem:$0x3FB8] =	sst s0;
	s0 =	simm.s32 @!p1 $0x0  }
0x14: {  	s2 =	sld [smem:$0x3F9C];
	s0 =	simm.s32 @p1 $0x1  }
0x15: {  	[smem:$0x3FB9] =	sst s0;
	s0 =	simm.s32 @!p2 $0x0  }
0x16: {  	s3 =	sld [smem:$0x3FDB];
	s0 =	simm.s32 @p2 $0x1  }
0x17: {  	s4 =	simm.s32 $0x1BF5;
	[smem:$0x3FBB] =	sst s0  }
0x18: {  	s0 =	sld [smem:$0x3F9E];
	_ =	swait.ge [sflag:s4], $0x0  }
0x19: {  	s7 =	sld [smem:$0x3F9F]  }
0x1a: {  	s8 =	sadd.s32 $0xFFFFE003, lr  }
0x1b: {  	s9 =	sadd.s32 $0xFFFFFEF7, lr;
	s5 =	simm.s32 $0xFFFFFFFF;
	p2 =	slt.u32 s8, $0xFFFFF086  }
0x1c: {  	p1 =	slt.u32 s9, $0xF7A;
	s5 =	simm.s32 @!p2 $0x0  }
0x1d: {  	s5 =	simm.s32 @p1 $0x1;
	p0 =	seq.s32 s7, s2  }
0x1e: {  	s7 =	smul.u32 @!p0 $0xF7A, s2;
	p2 =	seq.s32 @!p0 s5, $0x0  }
0x1f: {  	s9 =	smul.u32 $0xF7A, s1;
	s8 =	simm.s32 @!p0 $0x1BF5;
	p2 =	por !p2, p0  }
0x20: {  	[sflag:s8] =	ssyncset.s32 @!p0 $0xFFFFF086;
	s6 =	sadd.s32 @!p0 s3, s7;
	s7 =	simm.s32 @!p0 $0x108  }
0x21: {  	s3 =	sadd.s32 s3, s9;
	s6 =	sadd.s32 @!p0 $0x88, s6;
	s7 =	simm.s32 @p2 $0x1082  }
0x22: {  	[simem:s7], [sflag:s8] =	dma.local @!p0 [hbm:s6], $0xF7A  }
0x23: {  	s9 =	sor.u32 $0xD0000000, s2;
	s6 =	simm.s32 $0x108;
	_ =	swait.ge @!p0 [sflag:s8], $0x0  }
0x24: {  	s3 =	sadd.s32 $0x88, s3;
	s6 =	simm.s32 @!p1 $0x1082;
	[sflag:s4] =	ssyncset.s32 $0xFFFFF086  }
0x25: {  	[simem:s6], [sflag:s4] =	dma.local [hbm:s3], $0xF7A  }
0x26: {  	[smem:$0x3F9F] =	sst s1;
	(tag) =	ssettag s2;
	_ =	strace s9  }
0x27: {  	s1 =	sld [smem:$0x3FAF]  }
0x28: {  	s2 =	sld [smem:$0x3FB0]  }
0x29: {  	s4 =	sld [smem:$0x3FB2]  }
0x2a: {  	p0 =	seq.s32 s5, $0x0;
	s5 =	sld [smem:$0x3FB3]  }
0x2b: {  	s6 =	sld [smem:$0x3FB4]  }
0x2c: {  	s7 =	sld [smem:$0x3FB5]  }
0x2d: {  	s3 =	simm.s32 $0x108;
	s8 =	sld [smem:$0x3FB6]  }
0x2e: {  	s3 =	simm.s32 @!p0 $0x1082;
	s9 =	sld [smem:$0x3FB7]  }
0x2f: {  	lr =	sadd.s32 s0, s3;
	s0 =	sld [smem:$0x3FAE]  }
0x30: {  	s3 =	sld [smem:$0x3FB1]  }
0x31: {  	[smem:$0x3FBA] =	sst s10  }
0x32: {  	s10 =	sld [smem:$0x3FB8];
	_ =	sdelay $0x3  }
0x33: {  	p0 =	seq.s32 s10, $0x1;
	s10 =	sld [smem:$0x3FBA];
	_ =	sdelay $0x3  }
0x34: {  	[smem:$0x3FBA] =	sst s10  }
0x35: {  	s10 =	sld [smem:$0x3FB9];
	_ =	sdelay $0x3  }
0x36: {  	p1 =	seq.s32 s10, $0x1;
	s10 =	sld [smem:$0x3FBA];
	_ =	sdelay $0x3  }
0x37: {  	[smem:$0x3FBA] =	sst s10  }
0x38: {  	s10 =	sld [smem:$0x3FBB]  }
0x39: {  	_ = 	snop;
	(pc) =	sbr.ind lr, $3  }
0x3a: {  	_ = 	snop  }
0x3b: {  	_ = 	snop  }
0x3c: {  	p2 =	seq.s32 s10, $0x1;
	s10 =	sld [smem:$0x3FBA]  }
0x3d: {  	_ =	shalt  }
0x3e: {  	_ =	shalt  }
0x3f: {  	_ =	shalt  }
0x40: {  	_ =	shalt  }
0x41: {  	_ =	shalt  }
0x42: {  	_ =	shalt  }
0x43: {  	_ =	shalt  }
0x44: {  	_ =	shalt  }
0x45: {  	_ =	shalt  }
0x46: {  	_ =	shalt  }
0x47: {  	_ =	shalt  }
0x48: {  	_ =	shalt  }
0x49: {  	_ =	shalt  }
0x4a: {  	_ =	shalt  }
0x4b: {  	_ =	shalt  }
0x4c: {  	_ =	shalt  }
0x4d: {  	_ =	shalt  }
0x4e: {  	_ =	shalt  }
0x4f: {  	_ =	shalt  }
0x50: {  	_ =	shalt  }
0x51: {  	_ =	shalt  }
0x52: {  	_ =	shalt  }
0x53: {  	_ =	shalt  }
0x54: {  	_ =	shalt  }
0x55: {  	_ =	shalt  }
0x56: {  	_ =	shalt  }
0x57: {  	_ =	shalt  }
0x58: {  	_ =	shalt  }
0x59: {  	_ =	shalt  }
0x5a: {  	_ =	shalt  }
0x5b: {  	_ =	shalt  }
0x5c: {  	_ =	shalt  }
0x5d: {  	_ =	shalt  }
0x5e: {  	_ =	shalt  }
0x5f: {  	_ =	shalt  }
0x60: {  	_ =	shalt  }
0x61: {  	_ =	shalt  }
0x62: {  	_ =	shalt  }
0x63: {  	_ =	shalt  }
0x64: {  	_ =	shalt  }
0x65: {  	_ =	shalt  }
0x66: {  	_ =	shalt  }
0x67: {  	_ =	shalt  }
0x68: {  	_ =	shalt  }
0x69: {  	_ =	shalt  }
0x6a: {  	_ =	shalt  }
0x6b: {  	_ =	shalt  }
0x6c: {  	_ =	shalt  }
0x6d: {  	_ =	shalt  }
0x6e: {  	_ =	shalt  }
0x6f: {  	_ =	shalt  }
0x70: {  	_ =	shalt  }
0x71: {  	_ =	shalt  }
0x72: {  	_ =	shalt  }
0x73: {  	_ =	shalt  }
0x74: {  	_ =	shalt  }
0x75: {  	_ =	shalt  }
0x76: {  	_ =	shalt  }
0x77: {  	_ =	shalt  }
0x78: {  	_ =	shalt  }
0x79: {  	_ =	shalt  }
0x7a: {  	_ =	shalt  }
0x7b: {  	_ =	shalt  }
0x7c: {  	_ =	shalt  }
0x7d: {  	_ =	shalt  }
0x7e: {  	_ =	shalt  }
0x7f: {  	_ =	shalt  }
0x80: {  	_ =	shalt  }
0x81: {  	_ =	shalt  }
0x82: {  	_ =	shalt  }
0x83: {  	_ =	shalt  }
0x84: {  	_ =	shalt  }
0x85: {  	_ =	shalt  }
0x86: {  	_ =	shalt  }
0x87: {  	_ =	shalt  }
.Lfunc_end0:
.L_simem_size_0:
called_computation_lowered:
.L_overlay_start_0:
0x88: {  	s2 =	sld [smem:$0x3FD9]  }
0x89: {  	s3 =	sld [smem:$0x3FFE];
	_ =	sdelay $0x1  }
0x8a: {  	s1 =	srdreg.scid  }
0x8b: {  	s0 =	sand.u32 $0x1, s1  }
0x8c: {  	s17 =	sshll.u32 s0, $0xA;
	s2 =	sadd.s32 s3, s2  }
0x8d: {  	s2 =	sadd.s32 s2, s17  }
0x8e: {  	[smem:$0x3FC6] =	sst s2  }
0x8f: {  	_ = 	snop  }
0x90: {  	s2 =	sld [smem:$0x3FC8]  }
0x91: {  	s18 =	sld [smem:$0x3FD0];
	(tm) =	ssettm $0x1  }
0x92: {  	s4 =	sld [smem:$0x3FFB];
	_ =	sdelay $0x3  }
0x93: {  	_ =	strace s4  }
0x94: {  	s4 =	sld [smem:$0x3FFC];
	_ =	sdelay $0x3  }
0x95: {  	_ =	strace s4  }
0x96: {  	s4 =	sld [smem:$0x3FFD];
	_ =	sdelay $0x3  }
0x97: {  	_ =	strace s4  }
0x98: {  	_ =	strace $0x8FFFFFFF  }
0x99: {  	s19 =	sld [smem:$0x3FDB];
	_ =	sdelay $0x1  }
0x9a: {  	s5 =	simm.s32 $_scs_section_size  }
0x9b: {  	s6 =	simm.s32 $_size__tile_overlayer_lowered;
	s7 =	simm.s32 $_tile_overlayer_lowered  }
0x9c: {  	s22 =	simm.s32 $0x1BFF;
	s21 =	sshll.u32 s7, $0x1;
	s4 =	sadd.s32 s5, s19  }
0x9d: {  	s8 =	simm.s32 $0x0;
	s20 =	sshll.u32 s6, $0x1;
	s6 =	sadd.s32 s21, s4  }
0x9e: {  	[timem:s8], [sflag:s22] =	dma.local [hbm:s6], s20  }
0x9f: {  	_ =	swait.ge [sflag:s22], s20  }
0xa0: {  	s5 =	ssub.s32 $0x0, s20;
	[sflag:s22] =	ssyncset.done $0x0  }
0xa1: {  	[sflag:s22] =	ssyncadd.s32 s5;
	_ =	sdelay $0x1  }
0xa2: {  	s23 =	simm.s32 $0x1B8B  }
0xa3: {  	_ =	swait.ge [sflag:s23], $0x1  }
0xa4: {  	[sflag:s23] =	ssyncset.done $0x0  }
0xa5: {  	s25 =	simm.s32 $0x1B8E;
	s24 =	sld [smem:$0x3FFE];
	[sflag:s23] =	ssyncadd.s32 $0xFFFFFFFF  }
0xa6: {  	s26 =	simm.s32 $execute0_lowered;
	[smem:$0x3FD2] =	sst s25  }
0xa7: {  	s6 =	sshll.u32 s26, $0x1;
	_ =	strace $0x80000046;
	[dreg:$0x1] =	wrdreg $0xFFFFFFFF  }
0xa8: {  	s28 =	simm.s32 $_size_execute0_lowered;
	s4 =	sadd.s32 s4, s6;
	[dreg:$0x0] =	wrdreg $0x0  }
0xa9: {  	s6 =	sshll.u32 s28, $0x1;
	[dreg:$0x2] =	wrdreg s4  }
0xaa: {  	[dreg:$0x3] =	wrdreg s6  }
0xab: {  	[dreg:$0x4] =	wrdreg $0xC0  }
0xac: {  	_ =	task [dreg:s8], $0x5FFFF  }
0xad: {  	[dreg:$0x1] =	wrdreg $0xFFFFFFFF  }
0xae: {  	[dreg:$0x0] =	wrdreg $0x60  }
0xaf: {  	[dreg:$0x2] =	wrdreg s24  }
0xb0: {  	[dreg:$0x3] =	wrdreg s2  }
0xb1: {  	[dreg:$0x4] =	wrdreg s18  }
0xb2: {  	[dreg:$0x5] =	wrdreg $0x9  }
0xb3: {  	_ =	task.clear_ibuf [dreg:s8], $0x6FFFF;
	_ =	strace $0x90000046  }
0xb4: {  	s29 =	simm.s32 $0x9;
	_ =	strace $0x80000048  }
0xb5: {  	_ =	swait.ge [sflag:s29], $0x1  }
0xb6: {  	[sflag:s29] =	ssyncadd.s32 $0xFFFFFFFF  }
0xb7: {  	_ =	strace $0x90000048  }
0xb8: {  	_ =	sfence  }
0xb9: {  	s30 =	sld [smem:$0x0];
	_ =	sdelay $0x2  }
0xba: {  	s31 =	sshll.u32 s1, $0xD;
	s1 =	sshrl.u32 s1, $0x2  }
0xbb: {  	s3 =	sand.u32 $0x4000, s31;
	s1 =	sadd.s32 s1, s30  }
0xbc: {  	s0 =	sor.u32 s3, s0;
	s1 =	sshll.u32 s1, $0x11  }
0xbd: {  	s0 =	sor.u32 s1, s0  }
0xbe: {  	s0 =	sadd.s32 $0x8F2B, s0  }
0xbf: {  	[sflag:s0] =	ssyncadd.remote.s32 $0x1  }
0xc0: {  	_ =	sfence.sel $0xFFFF  }
0xc1: {  	[dreg:$0x0] =	wrdreg $0xFFFFFFFF;
	(pc) =	sbr.abs _section_cstart, $3  }
0xc2: {  	[dreg:$0x1] =	wrdreg $0xFFFFFFFF  }
0xc3: {  	_ =	task.clear_ibuf [dreg:s8], $0x2FFFF;
	_ =	strace $0x9FFFFFFF  }
0xc4: {  	(tm) =	ssettm $0x7FFFFFFF  }
0xc5: {  	_ =	shalt  }
tec
execute0_lowered:
.L_overlay_start_1:
0x0: {  	(tag) =	ssettag $0x1  }
0x1: {  	s0 =	rddreg [dreg:$0x0]  }
0x2: {  	s2 =	rddreg [dreg:$0x1];
	s1 =	srdreg.scid  }
0x3: {  	s7 =	stileid.u32;
	s4 =	rddreg [dreg:$0x2];
	s3 =	simm.s32 $0x0  }
0x4: {  	s10 =	simm.s32 $0x50;
	s18 =	simm.s32 $0xB900;
	s19 =	simm.s32 $0x1  }
0x5: {  	s20 =	simm.s32 $0xE100;
	s21 =	simm.s32 $0x2;
	s22 =	simm.s32 $0x10900  }
0x6: {  	s23 =	simm.s32 $0x3;
	s28 =	simm.s32 $0x6;
	s29 =	simm.s32 $0x7  }
0x7: {  	s30 =	simm.s32 $0x8;
	s1 =	sand.u32 $0x1, s1;
	s5 =	sshll.u32 s7, $0x1  }
0x8: {  	s12 =	simm.s32 $0x1900;
	s7 =	smul.u32 $0x32000, s7;
	s5 =	sor.u32 s1, s5  }
0x9: {  	s14 =	simm.s32 $0x4100;
	s16 =	simm.s32 $0x6900;
	s5 =	smul.u32 $0x1900, s5  }
0xa: {  	[smem:$0x7FF] =	sst s3;
	s6 =	ssub.s32 $0x2, s1;
	s1 =	smul.u32 $0x19000, s1  }
0xb: {  	_ =	strace $0x80000047;
	s4 =	sadd.s32 s7, s4;
	s5 =	sshrl.u32 s5, $0x3  }
0xc: {  	s24 =	sshrl.u32 s6, $0x1;
	s31 =	sadd.s32 s1, s4;
	s0 =	sadd.s32 s5, s0  }
0xd: {  	s4 =	simm.s32 $0x0;
	[dreg:$0x7] =	wrdreg s31;
	s25 =	sadd.s32 $0x400, s0  }
0xe: {  	s5 =	ssub.s32 s6, s24;
	s0 =	sadd.s32 $0x428, s0;
	[dreg:$0x4] =	wrdreg s25  }
0xf: {  	s24 =	simm.s32 $0x13100;
	s26 =	smax.u32 s5, $0x1;
	[dreg:$0x5] =	wrdreg s0  }
0x10: {  	[dreg:$0x6] =	wrdreg s26;
	s25 =	simm.s32 $0x4;
	s26 =	simm.s32 $0x5  }
.LBB2_1:
0x11: {  	[dreg:$0x8] =	wrdreg s4  }
0x12: {  	s0 =	rddreg [dreg:$0x4]  }
0x13: {  	[tilespmem:s3], [sflag:$0x11] =	stream.linear.gather [hbm4b:s0+s3], $0x140, $0x38;
	[tilespmem:$0x15900] =	vst v63  }
0x14: {  	s8 =	rddreg [dreg:$0x5];
	s1 =	simm.s32 $0x140;
	s9 =	simm.s32 $0x11  }
0x15: {  	[tilespmem:s1], [sflag:$0x12] =	stream.linear.gather [hbm4b:s8+s3], $0x17C0, $0x38;
	[tilespmem:$0x15900] =	vst v63  }
0x16: {  	_ =	swait.ge [sflag:s9], $0x140  }
0x17: {  	[sflag:s9] =	ssyncset.done $0x0  }
0x18: {  	s5 =	simm.s32 $0x1900;
	[sflag:s9] =	ssyncadd.s32 $0xFFFFFEC0  }
0x19: {  	[tilespmem:s5], [sflag:$0x1] =	stream.indirect.gather [hbm4b:s2+s10], $0x80, s3, s10, $0xb8;
	[tilespmem:$0x15900] =	vst v63  }
0x1a: {  	s6 =	simm.s32 $0x4100  }
0x1b: {  	[tilespmem:s6], [sflag:$0x2] =	stream.indirect.gather [hbm4b:s2+s10], $0x80, s10, s10, $0xb8;
	[tilespmem:$0x15900] =	vst v63  }
0x1c: {  	s11 =	simm.s32 $0xA0;
	s7 =	simm.s32 $0x6900  }
0x1d: {  	[tilespmem:s7], [sflag:$0x3] =	stream.indirect.gather [hbm4b:s2+s10], $0x80, s11, s10, $0xb8;
	[tilespmem:$0x15900] =	vst v63  }
0x1e: {  	s13 =	simm.s32 $0xF0;
	s15 =	simm.s32 $0x12;
	s8 =	simm.s32 $0x9100  }
0x1f: {  	[tilespmem:s8], [sflag:$0x4] =	stream.indirect.gather [hbm4b:s2+s10], $0x80, s13, s10, $0xb8;
	[tilespmem:$0x15900] =	vst v63  }
0x20: {  	_ =	swait.ge [sflag:s15], $0x17C0  }
0x21: {  	p0 =	por $0x1, $0x1;
	[sflag:s15] =	ssyncset.done $0x0  }
0x22: {  	s1 =	simm.s32 @!p0 $0xD;
	[sflag:s15] =	ssyncadd.s32 $0xFFFFE840  }
0x23: {  	_ =	swait.ge @!p0 [sflag:s1], $0x2800  }
0x24: {  	[sflag:s1] =	ssyncset.done @!p0 $0x0  }
0x25: {  	s17 =	simm.s32 $0x140;
	[sflag:s1] =	ssyncadd.s32 @!p0 $0xFFFFD800  }
0x26: {  	[tilespmem:s18], [sflag:$0x5] =	stream.indirect.gather [hbm4b:s2+s10], $0x80, s17, s10, $0xb8;
	[tilespmem:$0x15900] =	vst v63  }
0x27: {  	_ =	swait.ge [sflag:s19], $0x2800  }
0x28: {  	[sflag:s19] =	ssyncset.done $0x0  }
0x29: {  	s1 =	simm.s32 @!p0 $0xE;
	s0 =	rddreg [dreg:$0x7];
	[sflag:s19] =	ssyncadd.s32 $0xFFFFD800  }
0x2a: {  	[hbm4b:s0+s3] =	stream.linear.scatter [tilespmem:s5], [sflag:$0x9], $0x2800, $0x38;
	[tilespmem:$0x15900] =	vst v63  }
0x2b: {  	_ =	swait.ge @!p0 [sflag:s1], $0x2800  }
0x2c: {  	[sflag:s1] =	ssyncset.done @!p0 $0x0  }
0x2d: {  	s31 =	simm.s32 $0x190;
	[sflag:s1] =	ssyncadd.s32 @!p0 $0xFFFFD800  }
0x2e: {  	[tilespmem:s20], [sflag:$0x6] =	stream.indirect.gather [hbm4b:s2+s10], $0x80, s31, s10, $0xb8;
	[tilespmem:$0x15900] =	vst v63  }
0x2f: {  	_ =	swait.ge [sflag:s21], $0x2800  }
0x30: {  	[sflag:s21] =	ssyncset.done $0x0  }
0x31: {  	s4 =	simm.s32 @!p0 $0xF;
	s5 =	sadd.s32 $0x500, s0;
	[sflag:s21] =	ssyncadd.s32 $0xFFFFD800  }
0x32: {  	[hbm4b:s5+s3] =	stream.linear.scatter [tilespmem:s6], [sflag:$0xA], $0x2800, $0x38;
	[tilespmem:$0x15900] =	vst v63  }
0x33: {  	_ =	swait.ge @!p0 [sflag:s4], $0x2800  }
0x34: {  	[sflag:s4] =	ssyncset.done @!p0 $0x0  }
0x35: {  	s6 =	simm.s32 $0x1E0;
	[sflag:s4] =	ssyncadd.s32 @!p0 $0xFFFFD800  }
0x36: {  	[tilespmem:s22], [sflag:$0x7] =	stream.indirect.gather [hbm4b:s2+s10], $0x80, s6, s10, $0xb8;
	[tilespmem:$0x15900] =	vst v63  }
0x37: {  	_ =	swait.ge [sflag:s23], $0x2800  }
0x38: {  	[sflag:s23] =	ssyncset.done $0x0  }
0x39: {  	s9 =	sadd.s32 $0xA00, s0;
	s4 =	simm.s32 @!p0 $0x10;
	[sflag:s23] =	ssyncadd.s32 $0xFFFFD800  }
0x3a: {  	[hbm4b:s9+s3] =	stream.linear.scatter [tilespmem:s7], [sflag:$0xB], $0x2800, $0x38;
	[tilespmem:$0x15900] =	vst v63  }
0x3b: {  	_ =	swait.ge @!p0 [sflag:s4], $0x2800  }
0x3c: {  	[sflag:s4] =	ssyncset.done @!p0 $0x0  }
0x3d: {  	s11 =	simm.s32 $0x230;
	[sflag:s4] =	ssyncadd.s32 @!p0 $0xFFFFD800  }
0x3e: {  	[tilespmem:s24], [sflag:$0x8] =	stream.indirect.gather [hbm4b:s2+s10], $0x80, s11, s10, $0xb8;
	[tilespmem:$0x15900] =	vst v63  }
0x3f: {  	_ =	swait.ge [sflag:s25], $0x2800  }
0x40: {  	p0 =	por $0x0, $0x0;
	[sflag:s25] =	ssyncset.done $0x0  }
0x41: {  	s13 =	sadd.s32 $0xF00, s0;
	s4 =	simm.s32 @!p0 $0x9;
	[sflag:s25] =	ssyncadd.s32 $0xFFFFD800  }
0x42: {  	[hbm4b:s13+s3] =	stream.linear.scatter [tilespmem:s8], [sflag:$0xC], $0x2800, $0x38;
	[tilespmem:$0x15900] =	vst v63  }
0x43: {  	_ =	swait.ge @!p0 [sflag:s4], $0x2800  }
0x44: {  	s1 =	simm.s32 @!p0 $0x280;
	[sflag:s4] =	ssyncset.done @!p0 $0x0  }
0x45: {  	s6 =	simm.s32 @!p0 $0x50;
	s5 =	simm.s32 @!p0 $0x1900;
	[sflag:s4] =	ssyncadd.s32 @!p0 $0xFFFFD800  }
0x46: {  	[tilespmem:s5], [sflag:$0x1] =	stream.indirect.gather @!p0 [hbm4b:s2+s6], $0x80, s1, s6, $0xb8;
	[tilespmem:$0x15900] =	vst v63  }
0x47: {  	_ =	swait.ge [sflag:s26], $0x2800  }
0x48: {  	[sflag:s26] =	ssyncset.done $0x0  }
0x49: {  	s15 =	sadd.s32 $0x1400, s0;
	s4 =	simm.s32 @!p0 $0xA;
	[sflag:s26] =	ssyncadd.s32 $0xFFFFD800  }
0x4a: {  	[hbm4b:s15+s3] =	stream.linear.scatter [tilespmem:s18], [sflag:$0xD], $0x2800, $0x38;
	[tilespmem:$0x15900] =	vst v63  }
0x4b: {  	_ =	swait.ge @!p0 [sflag:s4], $0x2800  }
0x4c: {  	[sflag:s4] =	ssyncset.done @!p0 $0x0  }
0x4d: {  	s1 =	simm.s32 @!p0 $0x2D0;
	s5 =	simm.s32 @!p0 $0x4100;
	[sflag:s4] =	ssyncadd.s32 @!p0 $0xFFFFD800  }
0x4e: {  	[tilespmem:s5], [sflag:$0x2] =	stream.indirect.gather @!p0 [hbm4b:s2+s6], $0x80, s1, s6, $0xb8;
	[tilespmem:$0x15900] =	vst v63  }
0x4f: {  	_ =	swait.ge [sflag:s28], $0x2800  }
0x50: {  	[sflag:s28] =	ssyncset.done $0x0  }
0x51: {  	s17 =	sadd.s32 $0x1900, s0;
	s4 =	simm.s32 @!p0 $0xB;
	[sflag:s28] =	ssyncadd.s32 $0xFFFFD800  }
0x52: {  	[hbm4b:s17+s3] =	stream.linear.scatter [tilespmem:s20], [sflag:$0xE], $0x2800, $0x38;
	[tilespmem:$0x15900] =	vst v63  }
0x53: {  	_ =	swait.ge @!p0 [sflag:s4], $0x2800  }
0x54: {  	[sflag:s4] =	ssyncset.done @!p0 $0x0  }
0x55: {  	s1 =	simm.s32 @!p0 $0x320;
	s5 =	simm.s32 @!p0 $0x6900;
	[sflag:s4] =	ssyncadd.s32 @!p0 $0xFFFFD800  }
0x56: {  	[tilespmem:s5], [sflag:$0x3] =	stream.indirect.gather @!p0 [hbm4b:s2+s6], $0x80, s1, s6, $0xb8;
	[tilespmem:$0x15900] =	vst v63  }
0x57: {  	_ =	swait.ge [sflag:s29], $0x2800  }
0x58: {  	p1 =	por $0x0, $0x0;
	[sflag:s29] =	ssyncset.done $0x0  }
0x59: {  	s31 =	sadd.s32 $0x1E00, s0;
	s9 =	simm.s32 @!p0 $0xC;
	[sflag:s29] =	ssyncadd.s32 $0xFFFFD800  }
0x5a: {  	[hbm4b:s31+s3] =	stream.linear.scatter [tilespmem:s22], [sflag:$0xF], $0x2800, $0x38;
	[tilespmem:$0x15900] =	vst v63  }
0x5b: {  	s15 =	simm.s32 @!p0 $0x9100;
	s4 =	sadd.s32 $0x2800, s0;
	_ =	swait.ge @!p0 [sflag:s9], $0x2800  }
0x5c: {  	s5 =	simm.s32 $0xA00;
	s1 =	simm.s32 @!p0 $0x370;
	[sflag:s9] =	ssyncset.done @!p0 $0x0  }
0x5d: {  	s17 =	sadd.s32 $0x2800, s4;
	[sflag:s9] =	ssyncadd.s32 @!p0 $0xFFFFD800;
	s9 =	simm.s32 $0x1400  }
0x5e: {  	[tilespmem:s15], [sflag:$0x4] =	stream.indirect.gather @!p0 [hbm4b:s2+s6], $0x80, s1, s6, $0xb8;
	[tilespmem:$0x15900] =	vst v63  }
0x5f: {  	s6 =	sadd.s32 $0x2300, s0;
	s15 =	sadd.s32 $0x2300, s4;
	_ =	swait.ge [sflag:s30], $0x2800  }
.LBB2_2:
0x60: {  	s1 =	simm.s32 @!p1 $0xD  }
0x61: {  	[sflag:s30] =	ssyncset.done $0x0;
	s31 =	smov.u32 s9;
	s9 =	sadd.s32 $0xA00, s9  }
0x62: {  	s0 =	sadd.s32 $0x2300, s17;
	p0 =	sne.s32 s9, $0x6400;
	[sflag:s30] =	ssyncadd.s32 $0xFFFFD800  }
0x63: {  	[hbm4b:s6+s3] =	stream.linear.scatter [tilespmem:s24], [sflag:$0x10], $0x2800, $0x38;
	[tilespmem:$0x15900] =	vst v63  }
0x64: {  	s8 =	sshra.s32 s5, $0x2;
	s6 =	smov.u32 s15;
	_ =	swait.ge @!p1 [sflag:s1], $0x2800  }
0x65: {  	s13 =	sadd.s32 $0x140, s8;
	s15 =	smov.u32 s0;
	[sflag:s1] =	ssyncset.done @!p1 $0x0  }
0x66: {  	[sflag:s1] =	ssyncadd.s32 @!p1 $0xFFFFD800  }
0x67: {  	[tilespmem:s18], [sflag:$0x5] =	stream.indirect.gather [hbm4b:s2+s10], $0x80, s13, s10, $0xb8;
	[tilespmem:$0x15900] =	vst v63  }
0x68: {  	_ =	swait.ge [sflag:s19], $0x2800  }
0x69: {  	s0 =	simm.s32 @!p1 $0xE;
	[sflag:s19] =	ssyncset.done $0x0  }
0x6a: {  	[sflag:s19] =	ssyncadd.s32 $0xFFFFD800  }
0x6b: {  	[hbm4b:s4+s3] =	stream.linear.scatter [tilespmem:s12], [sflag:$0x9], $0x2800, $0x38;
	[tilespmem:$0x15900] =	vst v63  }
0x6c: {  	_ =	swait.ge @!p1 [sflag:s0], $0x2800  }
0x6d: {  	s1 =	sadd.s32 $0x190, s8;
	[sflag:s0] =	ssyncset.done @!p1 $0x0  }
0x6e: {  	[sflag:s0] =	ssyncadd.s32 @!p1 $0xFFFFD800  }
0x6f: {  	[tilespmem:s20], [sflag:$0x6] =	stream.indirect.gather [hbm4b:s2+s10], $0x80, s1, s10, $0xb8;
	[tilespmem:$0x15900] =	vst v63  }
0x70: {  	_ =	swait.ge [sflag:s21], $0x2800  }
0x71: {  	s0 =	sadd.s32 $0x500, s4;
	s1 =	simm.s32 @!p1 $0xF;
	[sflag:s21] =	ssyncset.done $0x0  }
0x72: {  	[sflag:s21] =	ssyncadd.s32 $0xFFFFD800  }
0x73: {  	[hbm4b:s0+s3] =	stream.linear.scatter [tilespmem:s14], [sflag:$0xA], $0x2800, $0x38;
	[tilespmem:$0x15900] =	vst v63  }
0x74: {  	_ =	swait.ge @!p1 [sflag:s1], $0x2800  }
0x75: {  	s0 =	sadd.s32 $0x1E0, s8;
	[sflag:s1] =	ssyncset.done @!p1 $0x0  }
0x76: {  	[sflag:s1] =	ssyncadd.s32 @!p1 $0xFFFFD800  }
0x77: {  	[tilespmem:s22], [sflag:$0x7] =	stream.indirect.gather [hbm4b:s2+s10], $0x80, s0, s10, $0xb8;
	[tilespmem:$0x15900] =	vst v63  }
0x78: {  	_ =	swait.ge [sflag:s23], $0x2800  }
0x79: {  	s1 =	simm.s32 @!p1 $0x10;
	s0 =	sadd.s32 $0xA00, s4;
	[sflag:s23] =	ssyncset.done $0x0  }
0x7a: {  	[sflag:s23] =	ssyncadd.s32 $0xFFFFD800  }
0x7b: {  	[hbm4b:s0+s3] =	stream.linear.scatter [tilespmem:s16], [sflag:$0xB], $0x2800, $0x38;
	[tilespmem:$0x15900] =	vst v63  }
0x7c: {  	_ =	swait.ge @!p1 [sflag:s1], $0x2800  }
0x7d: {  	s0 =	sadd.s32 $0x230, s8;
	[sflag:s1] =	ssyncset.done @!p1 $0x0  }
0x7e: {  	[sflag:s1] =	ssyncadd.s32 @!p1 $0xFFFFD800  }
0x7f: {  	[tilespmem:s24], [sflag:$0x8] =	stream.indirect.gather [hbm4b:s2+s10], $0x80, s0, s10, $0xb8;
	[tilespmem:$0x15900] =	vst v63  }
0x80: {  	p1 =	seq.s32 s5, $0x5A00;
	_ =	swait.ge [sflag:s25], $0x2800  }
0x81: {  	s1 =	simm.s32 $0x9100;
	s0 =	sadd.s32 $0xF00, s4;
	[sflag:s25] =	ssyncset.done $0x0  }
0x82: {  	s8 =	simm.s32 @!p1 $0x9;
	s5 =	sshra.s32 @!p1 s5, $0x2;
	[sflag:s25] =	ssyncadd.s32 $0xFFFFD800  }
0x83: {  	[hbm4b:s0+s3] =	stream.linear.scatter [tilespmem:s1], [sflag:$0xC], $0x2800, $0x38;
	[tilespmem:$0x15900] =	vst v63  }
0x84: {  	s13 =	sadd.s32 @!p1 $0x2D0, s5;
	s0 =	sadd.s32 @!p1 $0x280, s5;
	_ =	swait.ge @!p1 [sflag:s8], $0x2800  }
0x85: {  	s7 =	simm.s32 @!p1 $0x1900;
	s1 =	simm.s32 @!p1 $0x50;
	[sflag:s8] =	ssyncset.done @!p1 $0x0  }
0x86: {  	s11 =	sadd.s32 @!p1 $0x370, s5;
	[sflag:s8] =	ssyncadd.s32 @!p1 $0xFFFFD800;
	s8 =	sadd.s32 @!p1 $0x320, s5  }
0x87: {  	[tilespmem:s7], [sflag:$0x1] =	stream.indirect.gather @!p1 [hbm4b:s2+s1], $0x80, s0, s1, $0xb8;
	[tilespmem:$0x15900] =	vst v63  }
0x88: {  	s5 =	smov.u32 s31;
	_ =	swait.ge [sflag:s26], $0x2800  }
0x89: {  	s0 =	sadd.s32 $0x1400, s4;
	[sflag:s26] =	ssyncset.done $0x0  }
0x8a: {  	s7 =	simm.s32 @!p1 $0xA;
	[sflag:s26] =	ssyncadd.s32 $0xFFFFD800  }
0x8b: {  	[hbm4b:s0+s3] =	stream.linear.scatter [tilespmem:s18], [sflag:$0xD], $0x2800, $0x38;
	[tilespmem:$0x15900] =	vst v63  }
0x8c: {  	_ =	swait.ge @!p1 [sflag:s7], $0x2800  }
0x8d: {  	s0 =	simm.s32 @!p1 $0x4100;
	[sflag:s7] =	ssyncset.done @!p1 $0x0  }
0x8e: {  	[sflag:s7] =	ssyncadd.s32 @!p1 $0xFFFFD800  }
0x8f: {  	[tilespmem:s0], [sflag:$0x2] =	stream.indirect.gather @!p1 [hbm4b:s2+s1], $0x80, s13, s1, $0xb8;
	[tilespmem:$0x15900] =	vst v63  }
0x90: {  	_ =	swait.ge [sflag:s28], $0x2800  }
0x91: {  	s0 =	sadd.s32 $0x1900, s4;
	[sflag:s28] =	ssyncset.done $0x0  }
0x92: {  	s7 =	simm.s32 @!p1 $0xB;
	[sflag:s28] =	ssyncadd.s32 $0xFFFFD800  }
0x93: {  	[hbm4b:s0+s3] =	stream.linear.scatter [tilespmem:s20], [sflag:$0xE], $0x2800, $0x38;
	[tilespmem:$0x15900] =	vst v63  }
0x94: {  	_ =	swait.ge @!p1 [sflag:s7], $0x2800  }
0x95: {  	s0 =	simm.s32 @!p1 $0x6900;
	[sflag:s7] =	ssyncset.done @!p1 $0x0  }
0x96: {  	[sflag:s7] =	ssyncadd.s32 @!p1 $0xFFFFD800  }
0x97: {  	[tilespmem:s0], [sflag:$0x3] =	stream.indirect.gather @!p1 [hbm4b:s2+s1], $0x80, s8, s1, $0xb8;
	[tilespmem:$0x15900] =	vst v63  }
0x98: {  	_ =	swait.ge [sflag:s29], $0x2800  }
0x99: {  	s0 =	sadd.s32 $0x1E00, s4;
	s4 =	smov.u32 s17;
	[sflag:s29] =	ssyncset.done $0x0  }
0x9a: {  	s7 =	simm.s32 @!p1 $0xC;
	[sflag:s29] =	ssyncadd.s32 $0xFFFFD800  }
0x9b: {  	[hbm4b:s0+s3] =	stream.linear.scatter [tilespmem:s22], [sflag:$0xF], $0x2800, $0x38;
	[tilespmem:$0x15900] =	vst v63  }
.Ltmp0:
0x9c: {  	_ =	swait.ge @!p1 [sflag:s7], $0x2800;
	(pc) =	sbr.rel @p0 .LBB2_2-.Ltmp0, $4  }
0x9d: {  	s0 =	simm.s32 @!p1 $0x9100;
	[sflag:s7] =	ssyncset.done @!p1 $0x0  }
0x9e: {  	[sflag:s7] =	ssyncadd.s32 @!p1 $0xFFFFD800  }
0x9f: {  	[tilespmem:s0], [sflag:$0x4] =	stream.indirect.gather @!p1 [hbm4b:s2+s1], $0x80, s11, s1, $0xb8;
	[tilespmem:$0x15900] =	vst v63  }
0xa0: {  	s17 =	sadd.s32 $0x2800, s17;
	p1 =	seq.s32 s5, $0x0;
	_ =	swait.ge [sflag:s30], $0x2800  }
0xa1: {  	[sflag:s30] =	ssyncset.done $0x0  }
0xa2: {  	s0 =	simm.s32 @!p1 $0xD;
	[sflag:s30] =	ssyncadd.s32 $0xFFFFD800  }
0xa3: {  	[hbm4b:s6+s3] =	stream.linear.scatter [tilespmem:s24], [sflag:$0x10], $0x2800, $0x38;
	[tilespmem:$0x15900] =	vst v63  }
0xa4: {  	_ =	swait.ge @!p1 [sflag:s0], $0x2800  }
0xa5: {  	s1 =	sshra.s32 s5, $0x2;
	[sflag:s0] =	ssyncset.done @!p1 $0x0  }
0xa6: {  	s17 =	sadd.s32 $0x140, s1;
	[sflag:s0] =	ssyncadd.s32 @!p1 $0xFFFFD800  }
0xa7: {  	[tilespmem:s18], [sflag:$0x5] =	stream.indirect.gather [hbm4b:s2+s10], $0x80, s17, s10, $0xb8;
	[tilespmem:$0x15900] =	vst v63  }
0xa8: {  	_ =	swait.ge [sflag:s19], $0x2800  }
0xa9: {  	[sflag:s19] =	ssyncset.done $0x0  }
0xaa: {  	s0 =	simm.s32 @!p1 $0xE;
	[sflag:s19] =	ssyncadd.s32 $0xFFFFD800  }
0xab: {  	[hbm4b:s4+s3] =	stream.linear.scatter [tilespmem:s12], [sflag:$0x9], $0x2800, $0x38;
	[tilespmem:$0x15900] =	vst v63  }
0xac: {  	_ =	swait.ge @!p1 [sflag:s0], $0x2800  }
0xad: {  	[sflag:s0] =	ssyncset.done @!p1 $0x0  }
0xae: {  	s31 =	sadd.s32 $0x190, s1;
	[sflag:s0] =	ssyncadd.s32 @!p1 $0xFFFFD800  }
0xaf: {  	[tilespmem:s20], [sflag:$0x6] =	stream.indirect.gather [hbm4b:s2+s10], $0x80, s31, s10, $0xb8;
	[tilespmem:$0x15900] =	vst v63  }
0xb0: {  	_ =	swait.ge [sflag:s21], $0x2800  }
0xb1: {  	[sflag:s21] =	ssyncset.done $0x0  }
0xb2: {  	s7 =	sadd.s32 $0x500, s4;
	s6 =	simm.s32 @!p1 $0xF;
	[sflag:s21] =	ssyncadd.s32 $0xFFFFD800  }
0xb3: {  	[hbm4b:s7+s3] =	stream.linear.scatter [tilespmem:s14], [sflag:$0xA], $0x2800, $0x38;
	[tilespmem:$0x15900] =	vst v63  }
0xb4: {  	_ =	swait.ge @!p1 [sflag:s6], $0x2800  }
0xb5: {  	[sflag:s6] =	ssyncset.done @!p1 $0x0  }
0xb6: {  	s8 =	sadd.s32 $0x1E0, s1;
	[sflag:s6] =	ssyncadd.s32 @!p1 $0xFFFFD800  }
0xb7: {  	[tilespmem:s22], [sflag:$0x7] =	stream.indirect.gather [hbm4b:s2+s10], $0x80, s8, s10, $0xb8;
	[tilespmem:$0x15900] =	vst v63  }
0xb8: {  	_ =	swait.ge [sflag:s23], $0x2800  }
0xb9: {  	[sflag:s23] =	ssyncset.done $0x0  }
0xba: {  	s9 =	sadd.s32 $0xA00, s4;
	s6 =	simm.s32 @!p1 $0x10;
	[sflag:s23] =	ssyncadd.s32 $0xFFFFD800  }
0xbb: {  	[hbm4b:s9+s3] =	stream.linear.scatter [tilespmem:s16], [sflag:$0xB], $0x2800, $0x38;
	[tilespmem:$0x15900] =	vst v63  }
0xbc: {  	_ =	swait.ge @!p1 [sflag:s6], $0x2800  }
0xbd: {  	[sflag:s6] =	ssyncset.done @!p1 $0x0  }
0xbe: {  	s11 =	sadd.s32 $0x230, s1;
	[sflag:s6] =	ssyncadd.s32 @!p1 $0xFFFFD800  }
0xbf: {  	[tilespmem:s24], [sflag:$0x8] =	stream.indirect.gather [hbm4b:s2+s10], $0x80, s11, s10, $0xb8;
	[tilespmem:$0x15900] =	vst v63  }
0xc0: {  	_ =	swait.ge [sflag:s25], $0x2800  }
0xc1: {  	p0 =	seq.s32 s5, $0x5A00;
	s13 =	sadd.s32 $0xF00, s4;
	[sflag:s25] =	ssyncset.done $0x0  }
0xc2: {  	s1 =	simm.s32 @!p0 $0x9;
	s17 =	simm.s32 $0x9100;
	[sflag:s25] =	ssyncadd.s32 $0xFFFFD800  }
0xc3: {  	[hbm4b:s13+s3] =	stream.linear.scatter [tilespmem:s17], [sflag:$0xC], $0x2800, $0x38;
	[tilespmem:$0x15900] =	vst v63  }
0xc4: {  	s0 =	sshra.s32 @!p0 s5, $0x2;
	_ =	swait.ge @!p0 [sflag:s1], $0x2800  }
0xc5: {  	s5 =	sadd.s32 @!p0 $0x280, s0;
	[sflag:s1] =	ssyncset.done @!p0 $0x0  }
0xc6: {  	s6 =	simm.s32 @!p0 $0x50;
	[sflag:s1] =	ssyncadd.s32 @!p0 $0xFFFFD800;
	s1 =	simm.s32 @!p0 $0x1900  }
0xc7: {  	[tilespmem:s1], [sflag:$0x1] =	stream.indirect.gather @!p0 [hbm4b:s2+s6], $0x80, s5, s6, $0xb8;
	[tilespmem:$0x15900] =	vst v63  }
0xc8: {  	_ =	swait.ge [sflag:s26], $0x2800  }
0xc9: {  	[sflag:s26] =	ssyncset.done $0x0  }
0xca: {  	s31 =	sadd.s32 $0x1400, s4;
	s5 =	simm.s32 @!p0 $0xA;
	[sflag:s26] =	ssyncadd.s32 $0xFFFFD800  }
0xcb: {  	[hbm4b:s31+s3] =	stream.linear.scatter [tilespmem:s18], [sflag:$0xD], $0x2800, $0x38;
	[tilespmem:$0x15900] =	vst v63  }
0xcc: {  	_ =	swait.ge @!p0 [sflag:s5], $0x2800  }
0xcd: {  	[sflag:s5] =	ssyncset.done @!p0 $0x0  }
0xce: {  	s1 =	sadd.s32 @!p0 $0x2D0, s0;
	[sflag:s5] =	ssyncadd.s32 @!p0 $0xFFFFD800;
	s5 =	simm.s32 @!p0 $0x4100  }
0xcf: {  	[tilespmem:s5], [sflag:$0x2] =	stream.indirect.gather @!p0 [hbm4b:s2+s6], $0x80, s1, s6, $0xb8;
	[tilespmem:$0x15900] =	vst v63  }
0xd0: {  	_ =	swait.ge [sflag:s28], $0x2800  }
0xd1: {  	[sflag:s28] =	ssyncset.done $0x0  }
0xd2: {  	s7 =	sadd.s32 $0x1900, s4;
	s5 =	simm.s32 @!p0 $0xB;
	[sflag:s28] =	ssyncadd.s32 $0xFFFFD800  }
0xd3: {  	[hbm4b:s7+s3] =	stream.linear.scatter [tilespmem:s20], [sflag:$0xE], $0x2800, $0x38;
	[tilespmem:$0x15900] =	vst v63  }
0xd4: {  	_ =	swait.ge @!p0 [sflag:s5], $0x2800  }
0xd5: {  	[sflag:s5] =	ssyncset.done @!p0 $0x0  }
0xd6: {  	s1 =	sadd.s32 @!p0 $0x320, s0;
	[sflag:s5] =	ssyncadd.s32 @!p0 $0xFFFFD800;
	s5 =	simm.s32 @!p0 $0x6900  }
0xd7: {  	[tilespmem:s5], [sflag:$0x3] =	stream.indirect.gather @!p0 [hbm4b:s2+s6], $0x80, s1, s6, $0xb8;
	[tilespmem:$0x15900] =	vst v63  }
0xd8: {  	_ =	swait.ge [sflag:s29], $0x2800  }
0xd9: {  	[sflag:s29] =	ssyncset.done $0x0  }
0xda: {  	s8 =	sadd.s32 $0x1E00, s4;
	s1 =	simm.s32 @!p0 $0xC;
	[sflag:s29] =	ssyncadd.s32 $0xFFFFD800  }
0xdb: {  	[hbm4b:s8+s3] =	stream.linear.scatter [tilespmem:s22], [sflag:$0xF], $0x2800, $0x38;
	[tilespmem:$0x15900] =	vst v63  }
0xdc: {  	_ =	swait.ge @!p0 [sflag:s1], $0x2800  }
0xdd: {  	[sflag:s1] =	ssyncset.done @!p0 $0x0  }
0xde: {  	s0 =	sadd.s32 @!p0 $0x370, s0;
	[sflag:s1] =	ssyncadd.s32 @!p0 $0xFFFFD800;
	s1 =	simm.s32 @!p0 $0x9100  }
0xdf: {  	[tilespmem:s1], [sflag:$0x4] =	stream.indirect.gather @!p0 [hbm4b:s2+s6], $0x80, s0, s6, $0xb8;
	[tilespmem:$0x15900] =	vst v63  }
0xe0: {  	_ =	swait.ge [sflag:s30], $0x2800  }
0xe1: {  	[sflag:s30] =	ssyncset.done $0x0  }
0xe2: {  	s9 =	simm.s32 $0xD;
	[sflag:s30] =	ssyncadd.s32 $0xFFFFD800  }
0xe3: {  	[hbm4b:s15+s3] =	stream.linear.scatter [tilespmem:s24], [sflag:$0x10], $0x2800, $0x38;
	[tilespmem:$0x15900] =	vst v63  }
0xe4: {  	_ =	swait.ge [sflag:s9], $0x2800  }
0xe5: {  	[sflag:s9] =	ssyncset.done $0x0  }
0xe6: {  	s11 =	simm.s32 $0xE;
	[sflag:s9] =	ssyncadd.s32 $0xFFFFD800  }
0xe7: {  	_ =	swait.ge [sflag:s11], $0x2800  }
0xe8: {  	[sflag:s11] =	ssyncset.done $0x0  }
0xe9: {  	s13 =	simm.s32 $0xF;
	[sflag:s11] =	ssyncadd.s32 $0xFFFFD800  }
0xea: {  	_ =	swait.ge [sflag:s13], $0x2800  }
0xeb: {  	[sflag:s13] =	ssyncset.done $0x0  }
0xec: {  	s15 =	simm.s32 $0x10;
	[sflag:s13] =	ssyncadd.s32 $0xFFFFD800  }
0xed: {  	_ =	swait.ge [sflag:s15], $0x2800  }
0xee: {  	s17 =	rddreg [dreg:$0x8]  }
0xef: {  	s31 =	rddreg [dreg:$0x6];
	s4 =	sadd.s32 $0x1, s17  }
0xf0: {  	p0 =	sne.s32 s4, s31  }
.Ltmp1:
0xf1: {  	_ = 	snop;
	(pc) =	sbr.rel @p0 .LBB2_1-.Ltmp1, $3  }
0xf2: {  	_ =	sdelay $0x1  }
0xf3: {  	[sflag:s15] =	ssyncset.done $0x0  }
0xf4: {  	[sflag:s15] =	ssyncadd.s32 $0xFFFFD800  }
0xf5: {  	_ =	sfence.sel $0x180000  }
0xf6: {  	[bflag:$0x0] =	sbarrier.arrive $0xFFFF  }
0xf7: {  	_ =	strace $0x90000047  }
0xf8: {  	s0 =	stileid.u32;
	[bflag:$0x2] =	sbarrier.arrive $0xFFFF  }
0xf9: {  	p0 =	sne.s32 s0, $0x0;
	s0 =	rddreg [dreg:$0x3]  }
0xfa: {  	s0 =	sadd.s32 @!p0 $0x100000, s0  }
0xfb: {  	[sflag:s0] =	ssyncadd.tile.s32 @!p0 $0x1;
	_ =	shalt  }
.Lfunc_end2:
_tile_overlayer_lowered:
.L_overlay_start_2:
0xfc: {  	(tag) =	ssettag $0x2  }
0xfd: {  	s0 =	rddreg [dreg:$0x0];
	s2 =	stileid.u32  }
0xfe: {  	s1 =	rddreg [dreg:$0x1];
	p0 =	sne.s32 s2, $0x0  }
0xff: {  	s3 =	rddreg [dreg:$0x2];
	[bflag:$0x3] =	sbarrier.arrive $0xFFFF;
	s2 =	simm.s32 @!p0 $0x1C13  }
0x100: {  	[timem:s3], [sflag:s2] =	dma.local @!p0 [hbm:s0], s1  }
0x101: {  	s0 =	simm.s32 @!p0 $0x13  }
0x102: {  	_ =	swait.ge @!p0 [sflag:s0], s1  }
0x103: {  	s1 =	ssub.s32 @!p0 $0x0, s1;
	[sflag:s0] =	ssyncset.done @!p0 $0x0  }
0x104: {  	[sflag:s0] =	ssyncadd.s32 @!p0 s1  }
0x105: {  	[bflag:$0x3] =	sbarrier.arrive $0xFFFF  }
0x106: {  	_ =	shalt  }

</sc_bundles>
